<compile_context>
chip_gen: v7x
topology: tpu7x:2x2x1
jax: 0.10.2.dev20260603
libtpu: 0.0.44.dev20260713+nightly
codegen_flags: <defaults>
</compile_context>

<pallas_src>
import functools

import jax
import jax.numpy as jnp
from jax import lax
from jax.experimental import pallas as pl
from jax.experimental.pallas import tpu as pltpu
from jax.experimental.pallas import tpu_sc as plsc

N_LEMMAS = 100000
NPH = 128
NCD = 128
B = 1024
NEG = -1e9

LB = 4096
GRID = (N_LEMMAS + LB - 1) // LB

NW = 32
BPW = B // NW
WORDS = N_LEMMAS * NCD
WPW = WORDS // NW
CHW = 25000
NCH = WPW // CHW


def _prep_body(idx_r_ref, idx_c_ref, cv_ref, pc_ref, cv2_ref, pc2_ref):
    ir = idx_r_ref[...]
    ic = idx_c_ref[...]
    same = ir == ic
    iota_c = lax.broadcasted_iota(jnp.int32, (B, B), 1)
    last = jnp.max(jnp.where(same, iota_c, -1), axis=1, keepdims=True)
    iota_r = lax.broadcasted_iota(jnp.int32, (B, 1), 0)
    is_last = last == iota_r
    onehot = (iota_c == last).astype(jnp.bfloat16)
    cv_sel = jnp.dot(onehot, cv_ref[...].astype(jnp.bfloat16),
                     preferred_element_type=jnp.float32)
    pc_sel = jnp.dot(onehot, pc_ref[...].astype(jnp.bfloat16),
                     preferred_element_type=jnp.float32)
    cv2_ref[...] = jnp.where(is_last, cv_ref[...], cv_sel)
    pc2_ref[...] = jnp.where(is_last, pc_ref[...], pc_sel)


_prep = pl.pallas_call(
    _prep_body,
    out_shape=(
        jax.ShapeDtypeStruct((B, NCD), jnp.float32),
        jax.ShapeDtypeStruct((B, NPH), jnp.float32),
    ),
)


def _sims_body(pc_ref, wt_ref, st_ref, ms_ref, wt_out_ref,
               inp_ref, ones_ref, acc_ref):
    i = pl.program_id(0)

    @pl.when(i == 0)
    def _():
        pc = pc_ref[...]
        nrm = jnp.sqrt(jnp.sum(pc * pc, axis=1, keepdims=True))
        inp_ref[...] = (pc / (nrm + 1e-8)).astype(jnp.bfloat16)
        ones_ref[...] = jnp.ones((NPH, 8), jnp.bfloat16)
        acc_ref[...] = jnp.full((B, LB), NEG, jnp.bfloat16)

    w = wt_ref[...]
    wt_out_ref[...] = w
    row = lax.broadcasted_iota(jnp.int32, (LB, 1), 0) + i * LB
    rvalid = row < N_LEMMAS
    wsq = (w * w).astype(jnp.bfloat16)
    nsq = jnp.dot(wsq, ones_ref[...],
                  preferred_element_type=jnp.float32)[:, 0:1]
    inv = lax.rsqrt(nsq + 1e-16)
    wn = jnp.where(rvalid, w * inv, 0.0).astype(jnp.bfloat16)
    dot = lax.dot_general(inp_ref[...], wn, (((1,), (1,)), ((), ())),
                          preferred_element_type=jnp.float32)
    lane = lax.broadcasted_iota(jnp.int32, (1, LB), 1) + i * LB
    bias = jnp.where((lane < N_LEMMAS) & (st_ref[...] > 0), 0.0, NEG)
    acc_ref[...] = jnp.maximum(acc_ref[...], (dot + bias).astype(jnp.bfloat16))

    @pl.when(i == GRID - 1)
    def _():
        ms_ref[...] = jnp.max(acc_ref[...], axis=1,
                              keepdims=True).astype(jnp.float32)


_sims = pl.pallas_call(
    _sims_body,
    grid=(GRID,),
    in_specs=[
        pl.BlockSpec((B, NPH), lambda i: (0, 0)),
        pl.BlockSpec((LB, NPH), lambda i: (i, 0)),
        pl.BlockSpec((1, LB), lambda i: (0, i)),
    ],
    out_specs=(
        pl.BlockSpec((B, 1), lambda i: (0, 0)),
        pl.BlockSpec((LB, NPH), lambda i: (i, 0)),
    ),
    out_shape=(
        jax.ShapeDtypeStruct((B, 1), jnp.float32),
        jax.ShapeDtypeStruct((N_LEMMAS, NPH), jnp.float32),
    ),
    scratch_shapes=[
        pltpu.VMEM((B, NPH), jnp.bfloat16),
        pltpu.VMEM((NPH, 8), jnp.bfloat16),
        pltpu.VMEM((B, LB), jnp.bfloat16),
    ],
    compiler_params=pltpu.CompilerParams(
        dimension_semantics=("arbitrary",),
    ),
)


def _sc_copy_body(src_hbm, dst_hbm, buf0, buf1, si0, si1, so0, so1):
    wid = lax.axis_index("s") * 2 + lax.axis_index("c")
    base = wid * WPW
    bufs, sin, sout = (buf0, buf1), (si0, si1), (so0, so1)
    pending = [None, None]
    for k in range(NCH):
        b = k % 2
        if pending[b] is not None:
            pending[b].wait()
        pltpu.async_copy(src_hbm.at[pl.ds(base + k * CHW, CHW)],
                         bufs[b], sin[b]).wait()
        pending[b] = pltpu.async_copy(
            bufs[b], dst_hbm.at[pl.ds(base + k * CHW, CHW)], sout[b])
    pending[0].wait()
    pending[1].wait()


@functools.cache
def _sc_copy():
    return pl.kernel(
        _sc_copy_body,
        out_type=jax.ShapeDtypeStruct((WORDS,), jnp.float32),
        mesh=plsc.VectorSubcoreMesh(core_axis_name="c", subcore_axis_name="s",
                                    num_cores=2, num_subcores=16),
        scratch_types=[
            pltpu.VMEM((CHW,), jnp.float32),
            pltpu.VMEM((CHW,), jnp.float32),
            pltpu.SemaphoreType.DMA,
            pltpu.SemaphoreType.DMA,
            pltpu.SemaphoreType.DMA,
            pltpu.SemaphoreType.DMA,
        ],
    )


def _sc_scatter_body(idx_hbm, cv2_hbm, pc2_hbm, wcl_ref, wlpt_ref,
                     idx_v, rowc_v, rowp_v, sem):
    wid = lax.axis_index("s") * 2 + lax.axis_index("c")
    base = wid * BPW
    pltpu.sync_copy(idx_hbm.at[pl.ds(base, BPW)], idx_v)
    pltpu.sync_copy(cv2_hbm.at[pl.ds(base, BPW)], rowc_v)
    pltpu.sync_copy(pc2_hbm.at[pl.ds(base, BPW)], rowp_v)
    c1 = pltpu.async_copy(rowc_v, wcl_ref.at[idx_v], sem)
    c2 = pltpu.async_copy(rowp_v, wlpt_ref.at[idx_v], sem)
    c1.wait()
    c2.wait()


@functools.cache
def _sc_scatter():
    return pl.kernel(
        _sc_scatter_body,
        mesh=plsc.VectorSubcoreMesh(core_axis_name="c", subcore_axis_name="s",
                                    num_cores=2, num_subcores=16),
        scratch_types=[
            pltpu.VMEM((BPW,), jnp.int32),
            pltpu.VMEM((BPW, NCD), jnp.float32),
            pltpu.VMEM((BPW, NPH), jnp.float32),
            pltpu.SemaphoreType.DMA,
        ],
    )


def kernel(concept_vector, phonological_code, idx, W_C_to_L, W_L_to_P, status):
    cv2, pc2 = _prep(idx.reshape(B, 1), idx.reshape(1, B),
                     concept_vector, phonological_code)
    maxsim, wlpt_copy = _sims(
        phonological_code, W_L_to_P.T, status.reshape(1, N_LEMMAS))
    wcl_copy = _sc_copy()(W_C_to_L.reshape(-1))
    wcl_ref = jax.new_ref(wcl_copy.reshape(N_LEMMAS, NCD))
    wlpt_ref = jax.new_ref(wlpt_copy)
    _sc_scatter()(idx, cv2, pc2, wcl_ref, wlpt_ref)
    return wcl_ref[...], wlpt_ref[...].T, maxsim.reshape(B)

# --- scband reference (transcript-rebuilt; emitter-appended) ---
"""Pipeline reference for scband-lemma-acquisition-module-28192165331433 (READ-ONLY COPY).

The authoritative reference and input builder live on the scoring server;
editing this copy changes nothing except your own understanding.
"""

import jax, jax.numpy as jnp
import numpy as np

N_LEMMAS = 100000
N_CONCEPTS = 128
N_PHONEMES = 128
B = 1024
RESERVED_SLOTS = 8
THETA_NOVELTY = 0.65
STATUS_CONFIRMED = 2
STATUS_PROVISIONAL = 1


def setup_inputs(seed: int = 0) -> dict:
    key = jax.random.key(seed)
    k1, k2, k3, k4, k5, k6 = jax.random.split(key, 6)
    concept_vector = jax.random.normal(k1, (B, N_CONCEPTS), dtype=jnp.float32)
    phonological_code = jax.random.normal(k2, (B, N_PHONEMES), dtype=jnp.float32)
    idx = jax.random.randint(k3, (B,), 0, N_LEMMAS, dtype=jnp.int32)
    # learned / owned state (normally zero-init then mutated; give small random content
    # so the novelty gate is nontrivial)
    W_C_to_L = jax.random.normal(k4, (N_LEMMAS, N_CONCEPTS), dtype=jnp.float32) * 0.02
    W_L_to_P = jax.random.normal(k5, (N_PHONEMES, N_LEMMAS), dtype=jnp.float32) * 0.02
    status = jax.random.randint(k6, (N_LEMMAS,), 0, 3, dtype=jnp.int32)
    status = status.at[:RESERVED_SLOTS].set(STATUS_CONFIRMED)
    return {
        'concept_vector': concept_vector,
        'phonological_code': phonological_code,
        'idx': idx,
        'W_C_to_L': W_C_to_L,
        'W_L_to_P': W_L_to_P,
        'status': status,
    }


def reference(concept_vector, phonological_code, idx, W_C_to_L, W_L_to_P, status):
    # --- is_novel (batched): lemma-local novelty gate ---
    allocated_mask = status > 0  # [N_LEMMAS]
    stored_codes = W_L_to_P.T  # [N_LEMMAS, N_PHONEMES]
    stored_norms = stored_codes / (jnp.linalg.norm(stored_codes, axis=1, keepdims=True) + 1e-08)
    input_norm = phonological_code / (jnp.linalg.norm(phonological_code, axis=1, keepdims=True) + 1e-08)
    sims = input_norm @ stored_norms.T  # [B, N_LEMMAS]
    sims = jnp.where(allocated_mask[None, :], sims, -1e9)
    max_similarity = jnp.max(sims, axis=1)  # [B]
    is_novel = max_similarity < THETA_NOVELTY
    # --- allocate_row (batched): one-shot scatter writes ---
    new_W_C_to_L = W_C_to_L.at[idx].set(concept_vector)
    new_W_L_to_P = W_L_to_P.at[:, idx].set(phonological_code.T)
    new_status = status.at[idx].set(STATUS_PROVISIONAL)
    return new_W_C_to_L, new_W_L_to_P, max_similarity

if __name__ == "__main__":
    import jax
    _d = setup_inputs()
    print(jax.jit(kernel)(*tuple(_d.values())))

</pallas_src>

<mosaic_0001>
#map = affine_map<(d0, d1) -> (0)>
#map1 = affine_map<(d0, d1) -> (0, 0)>
module attributes {stable_mosaic.version = 14 : i64} {
  func.func @new_body(%arg0: i32, %arg1: i32, %arg2: memref<1024xi32, #tpu.memory_space<hbm>>, %arg3: memref<1024x128xf32, #tpu.memory_space<hbm>>, %arg4: memref<1024x128xf32, #tpu.memory_space<hbm>>, %arg5: memref<100000x128xf32, #tpu.memory_space<hbm>>, %arg6: memref<100000x128xf32, #tpu.memory_space<hbm>>, %arg7: memref<100000x128xf32, #tpu.memory_space<hbm>>, %arg8: memref<100000x128xf32, #tpu.memory_space<hbm>>, %arg9: memref<32xi32, #tpu.memory_space<vmem>>, %arg10: memref<32x128xf32, #tpu.memory_space<vmem>>, %arg11: memref<32x128xf32, #tpu.memory_space<vmem>>, %arg12: memref<!tpu.dma_semaphore, #tpu.memory_space<semaphore_mem>>) attributes {dimension_semantics = [#tpu.dimension_semantics<core_parallel>, #tpu.dimension_semantics<subcore_parallel>], iteration_bounds = array<i64: 2, 16>, scalar_prefetch = 0 : i64, scratch_operands = 4 : i64, tpu.core_type = #tpu.core_type<sc_vector_subcore>, window_params = [{transform_indices = #map}, {transform_indices = #map1}, {transform_indices = #map1}, {transform_indices = #map1}, {transform_indices = #map1}, {transform_indices = #map1}, {transform_indices = #map1}]} {
    %mul3A = arith.constant 2 : i32
    %mul3A_0 = arith.muli %arg1, %mul3A : i32
    %add3A = arith.addi %mul3A_0, %arg0 : i32
    %mul3A_1 = arith.constant 32 : i32
    %mul3A_2 = arith.muli %add3A, %mul3A_1 : i32
    "tpu.region"() ({
      %run_scoped3A = tpu.sem_alloc : memref<!tpu.dma_semaphore, #tpu.memory_space<semaphore_mem>>
      %dma_start3A_13 = tpu.memref_slice %arg2[%mul3A_2] : memref<1024xi32, #tpu.memory_space<hbm>> -> memref<32xi32, #tpu.memory_space<hbm>>
      %dma_start3A_14 = tpu.memref_slice %arg2[%mul3A_2] : memref<1024xi32, #tpu.memory_space<hbm>> -> memref<32xi32, #tpu.memory_space<hbm>>
      tpu.enqueue_dma source(%dma_start3A_14 : memref<32xi32, #tpu.memory_space<hbm>>) target(%arg9 : memref<32xi32, #tpu.memory_space<vmem>>) target_semaphore(%run_scoped3A : memref<!tpu.dma_semaphore, #tpu.memory_space<semaphore_mem>>)
      %dma_wait3A_15 = tpu.memref_slice %arg2[%mul3A_2] : memref<1024xi32, #tpu.memory_space<hbm>> -> memref<32xi32, #tpu.memory_space<hbm>>
      %dma_wait3A_16 = tpu.memref_slice %arg2[%mul3A_2] : memref<1024xi32, #tpu.memory_space<hbm>> -> memref<32xi32, #tpu.memory_space<hbm>>
      tpu.wait_dma2 semaphore(%run_scoped3A : memref<!tpu.dma_semaphore, #tpu.memory_space<semaphore_mem>>) src(%dma_wait3A_16 : memref<32xi32, #tpu.memory_space<hbm>>) dst(%arg9 : memref<32xi32, #tpu.memory_space<vmem>>)
      tpu.yield
    }) : () -> ()
    "tpu.region"() ({
      %run_scoped3A = tpu.sem_alloc : memref<!tpu.dma_semaphore, #tpu.memory_space<semaphore_mem>>
      %dma_start3A_13 = arith.constant 0 : i32
      %dma_start3A_14 = tpu.memref_slice %arg3[%mul3A_2, %dma_start3A_13] : memref<1024x128xf32, #tpu.memory_space<hbm>> -> memref<32x128xf32, #tpu.memory_space<hbm>>
      %dma_start3A_15 = arith.constant 0 : i32
      %dma_start3A_16 = tpu.memref_slice %arg3[%mul3A_2, %dma_start3A_15] : memref<1024x128xf32, #tpu.memory_space<hbm>> -> memref<32x128xf32, #tpu.memory_space<hbm>>
      tpu.enqueue_dma source(%dma_start3A_16 : memref<32x128xf32, #tpu.memory_space<hbm>>) target(%arg10 : memref<32x128xf32, #tpu.memory_space<vmem>>) target_semaphore(%run_scoped3A : memref<!tpu.dma_semaphore, #tpu.memory_space<semaphore_mem>>)
      %dma_wait3A_17 = arith.constant 0 : i32
      %dma_wait3A_18 = tpu.memref_slice %arg3[%mul3A_2, %dma_wait3A_17] : memref<1024x128xf32, #tpu.memory_space<hbm>> -> memref<32x128xf32, #tpu.memory_space<hbm>>
      %dma_wait3A_19 = arith.constant 0 : i32
      %dma_wait3A_20 = tpu.memref_slice %arg3[%mul3A_2, %dma_wait3A_19] : memref<1024x128xf32, #tpu.memory_space<hbm>> -> memref<32x128xf32, #tpu.memory_space<hbm>>
      tpu.wait_dma2 semaphore(%run_scoped3A : memref<!tpu.dma_semaphore, #tpu.memory_space<semaphore_mem>>) src(%dma_wait3A_20 : memref<32x128xf32, #tpu.memory_space<hbm>>) dst(%arg10 : memref<32x128xf32, #tpu.memory_space<vmem>>)
      tpu.yield
    }) : () -> ()
    "tpu.region"() ({
      %run_scoped3A = tpu.sem_alloc : memref<!tpu.dma_semaphore, #tpu.memory_space<semaphore_mem>>
      %dma_start3A_13 = arith.constant 0 : i32
      %dma_start3A_14 = tpu.memref_slice %arg4[%mul3A_2, %dma_start3A_13] : memref<1024x128xf32, #tpu.memory_space<hbm>> -> memref<32x128xf32, #tpu.memory_space<hbm>>
      %dma_start3A_15 = arith.constant 0 : i32
      %dma_start3A_16 = tpu.memref_slice %arg4[%mul3A_2, %dma_start3A_15] : memref<1024x128xf32, #tpu.memory_space<hbm>> -> memref<32x128xf32, #tpu.memory_space<hbm>>
      tpu.enqueue_dma source(%dma_start3A_16 : memref<32x128xf32, #tpu.memory_space<hbm>>) target(%arg11 : memref<32x128xf32, #tpu.memory_space<vmem>>) target_semaphore(%run_scoped3A : memref<!tpu.dma_semaphore, #tpu.memory_space<semaphore_mem>>)
      %dma_wait3A_17 = arith.constant 0 : i32
      %dma_wait3A_18 = tpu.memref_slice %arg4[%mul3A_2, %dma_wait3A_17] : memref<1024x128xf32, #tpu.memory_space<hbm>> -> memref<32x128xf32, #tpu.memory_space<hbm>>
      %dma_wait3A_19 = arith.constant 0 : i32
      %dma_wait3A_20 = tpu.memref_slice %arg4[%mul3A_2, %dma_wait3A_19] : memref<1024x128xf32, #tpu.memory_space<hbm>> -> memref<32x128xf32, #tpu.memory_space<hbm>>
      tpu.wait_dma2 semaphore(%run_scoped3A : memref<!tpu.dma_semaphore, #tpu.memory_space<semaphore_mem>>) src(%dma_wait3A_20 : memref<32x128xf32, #tpu.memory_space<hbm>>) dst(%arg11 : memref<32x128xf32, #tpu.memory_space<vmem>>)
      tpu.yield
    }) : () -> ()
    %dma_start3A = arith.constant 0 : i32
    %dma_start3A_3 = arith.constant 0 : i32
    %dma_start3A_4 = tpu.memref_slice %arg5[%dma_start3A, %dma_start3A_3] : memref<100000x128xf32, #tpu.memory_space<hbm>> -> memref<100000x128xf32, #tpu.memory_space<hbm>>
    tpu.enqueue_indirect_dma source(%arg10 : memref<32x128xf32, #tpu.memory_space<vmem>>) target(%dma_start3A_4 : memref<100000x128xf32, #tpu.memory_space<hbm>>) offsets(%arg9 : memref<32xi32, #tpu.memory_space<vmem>>) semaphore(%arg12 : memref<!tpu.dma_semaphore, #tpu.memory_space<semaphore_mem>>)
    %dma_start3A_5 = arith.constant 0 : i32
    %dma_start3A_6 = arith.constant 0 : i32
    %dma_start3A_7 = tpu.memref_slice %arg6[%dma_start3A_5, %dma_start3A_6] : memref<100000x128xf32, #tpu.memory_space<hbm>> -> memref<100000x128xf32, #tpu.memory_space<hbm>>
    tpu.enqueue_indirect_dma source(%arg11 : memref<32x128xf32, #tpu.memory_space<vmem>>) target(%dma_start3A_7 : memref<100000x128xf32, #tpu.memory_space<hbm>>) offsets(%arg9 : memref<32xi32, #tpu.memory_space<vmem>>) semaphore(%arg12 : memref<!tpu.dma_semaphore, #tpu.memory_space<semaphore_mem>>)
    %dma_wait3A = arith.constant 0 : i32
    %dma_wait3A_8 = arith.constant 0 : i32
    %dma_wait3A_9 = tpu.memref_slice %arg5[%dma_wait3A, %dma_wait3A_8] : memref<100000x128xf32, #tpu.memory_space<hbm>> -> memref<100000x128xf32, #tpu.memory_space<hbm>>
    tpu.wait_indirect_dma semaphore(%arg12 : memref<!tpu.dma_semaphore, #tpu.memory_space<semaphore_mem>>) src(%arg10 : memref<32x128xf32, #tpu.memory_space<vmem>>) dst(%dma_wait3A_9 : memref<100000x128xf32, #tpu.memory_space<hbm>>)
    %dma_wait3A_10 = arith.constant 0 : i32
    %dma_wait3A_11 = arith.constant 0 : i32
    %dma_wait3A_12 = tpu.memref_slice %arg6[%dma_wait3A_10, %dma_wait3A_11] : memref<100000x128xf32, #tpu.memory_space<hbm>> -> memref<100000x128xf32, #tpu.memory_space<hbm>>
    tpu.wait_indirect_dma semaphore(%arg12 : memref<!tpu.dma_semaphore, #tpu.memory_space<semaphore_mem>>) src(%arg11 : memref<32x128xf32, #tpu.memory_space<vmem>>) dst(%dma_wait3A_12 : memref<100000x128xf32, #tpu.memory_space<hbm>>)
    return
  }
}

#map = affine_map<(d0, d1) -> (0)>
module attributes {stable_mosaic.version = 14 : i64} {
  func.func @_sc_copy_body(%arg0: i32, %arg1: i32, %arg2: memref<12800000xf32, #tpu.memory_space<hbm>>, %arg3: memref<12800000xf32, #tpu.memory_space<hbm>>, %arg4: memref<25000xf32, #tpu.memory_space<vmem>>, %arg5: memref<25000xf32, #tpu.memory_space<vmem>>, %arg6: memref<!tpu.dma_semaphore, #tpu.memory_space<semaphore_mem>>, %arg7: memref<!tpu.dma_semaphore, #tpu.memory_space<semaphore_mem>>, %arg8: memref<!tpu.dma_semaphore, #tpu.memory_space<semaphore_mem>>, %arg9: memref<!tpu.dma_semaphore, #tpu.memory_space<semaphore_mem>>) attributes {dimension_semantics = [#tpu.dimension_semantics<core_parallel>, #tpu.dimension_semantics<subcore_parallel>], iteration_bounds = array<i64: 2, 16>, scalar_prefetch = 0 : i64, scratch_operands = 6 : i64, tpu.core_type = #tpu.core_type<sc_vector_subcore>, window_params = [{transform_indices = #map}, {transform_indices = #map}]} {
    %mul3A = arith.constant 2 : i32
    %mul3A_0 = arith.muli %arg1, %mul3A : i32
    %add3A = arith.addi %mul3A_0, %arg0 : i32
    %mul3A_1 = arith.constant 400000 : i32
    %mul3A_2 = arith.muli %add3A, %mul3A_1 : i32
    %add3A_3 = arith.constant 0 : i32
    %add3A_4 = arith.addi %mul3A_2, %add3A_3 : i32
    %dma_start3A = tpu.memref_slice %arg2[%add3A_4] : memref<12800000xf32, #tpu.memory_space<hbm>> -> memref<25000xf32, #tpu.memory_space<hbm>>
    %dma_start3A_5 = tpu.memref_slice %arg2[%add3A_4] : memref<12800000xf32, #tpu.memory_space<hbm>> -> memref<25000xf32, #tpu.memory_space<hbm>>
    tpu.enqueue_dma source(%dma_start3A_5 : memref<25000xf32, #tpu.memory_space<hbm>>) target(%arg4 : memref<25000xf32, #tpu.memory_space<vmem>>) target_semaphore(%arg6 : memref<!tpu.dma_semaphore, #tpu.memory_space<semaphore_mem>>)
    %dma_wait3A = tpu.memref_slice %arg2[%add3A_4] : memref<12800000xf32, #tpu.memory_space<hbm>> -> memref<25000xf32, #tpu.memory_space<hbm>>
    %dma_wait3A_6 = tpu.memref_slice %arg2[%add3A_4] : memref<12800000xf32, #tpu.memory_space<hbm>> -> memref<25000xf32, #tpu.memory_space<hbm>>
    tpu.wait_dma2 semaphore(%arg6 : memref<!tpu.dma_semaphore, #tpu.memory_space<semaphore_mem>>) src(%dma_wait3A_6 : memref<25000xf32, #tpu.memory_space<hbm>>) dst(%arg4 : memref<25000xf32, #tpu.memory_space<vmem>>)
    %add3A_7 = arith.constant 0 : i32
    %add3A_8 = arith.addi %mul3A_2, %add3A_7 : i32
    %dma_start3A_9 = tpu.memref_slice %arg3[%add3A_8] : memref<12800000xf32, #tpu.memory_space<hbm>> -> memref<25000xf32, #tpu.memory_space<hbm>>
    %dma_start3A_10 = tpu.memref_slice %arg3[%add3A_8] : memref<12800000xf32, #tpu.memory_space<hbm>> -> memref<25000xf32, #tpu.memory_space<hbm>>
    tpu.enqueue_dma source(%arg4 : memref<25000xf32, #tpu.memory_space<vmem>>) target(%dma_start3A_10 : memref<25000xf32, #tpu.memory_space<hbm>>) target_semaphore(%arg8 : memref<!tpu.dma_semaphore, #tpu.memory_space<semaphore_mem>>)
    %add3A_11 = arith.constant 25000 : i32
    %add3A_12 = arith.addi %mul3A_2, %add3A_11 : i32
    %dma_start3A_13 = tpu.memref_slice %arg2[%add3A_12] : memref<12800000xf32, #tpu.memory_space<hbm>> -> memref<25000xf32, #tpu.memory_space<hbm>>
    %dma_start3A_14 = tpu.memref_slice %arg2[%add3A_12] : memref<12800000xf32, #tpu.memory_space<hbm>> -> memref<25000xf32, #tpu.memory_space<hbm>>
    tpu.enqueue_dma source(%dma_start3A_14 : memref<25000xf32, #tpu.memory_space<hbm>>) target(%arg5 : memref<25000xf32, #tpu.memory_space<vmem>>) target_semaphore(%arg7 : memref<!tpu.dma_semaphore, #tpu.memory_space<semaphore_mem>>)
    %dma_wait3A_15 = tpu.memref_slice %arg2[%add3A_12] : memref<12800000xf32, #tpu.memory_space<hbm>> -> memref<25000xf32, #tpu.memory_space<hbm>>
    %dma_wait3A_16 = tpu.memref_slice %arg2[%add3A_12] : memref<12800000xf32, #tpu.memory_space<hbm>> -> memref<25000xf32, #tpu.memory_space<hbm>>
    tpu.wait_dma2 semaphore(%arg7 : memref<!tpu.dma_semaphore, #tpu.memory_space<semaphore_mem>>) src(%dma_wait3A_16 : memref<25000xf32, #tpu.memory_space<hbm>>) dst(%arg5 : memref<25000xf32, #tpu.memory_space<vmem>>)
    %add3A_17 = arith.constant 25000 : i32
    %add3A_18 = arith.addi %mul3A_2, %add3A_17 : i32
    %dma_start3A_19 = tpu.memref_slice %arg3[%add3A_18] : memref<12800000xf32, #tpu.memory_space<hbm>> -> memref<25000xf32, #tpu.memory_space<hbm>>
    %dma_start3A_20 = tpu.memref_slice %arg3[%add3A_18] : memref<12800000xf32, #tpu.memory_space<hbm>> -> memref<25000xf32, #tpu.memory_space<hbm>>
    tpu.enqueue_dma source(%arg5 : memref<25000xf32, #tpu.memory_space<vmem>>) target(%dma_start3A_20 : memref<25000xf32, #tpu.memory_space<hbm>>) target_semaphore(%arg9 : memref<!tpu.dma_semaphore, #tpu.memory_space<semaphore_mem>>)
    %dma_wait3A_21 = tpu.memref_slice %arg3[%add3A_8] : memref<12800000xf32, #tpu.memory_space<hbm>> -> memref<25000xf32, #tpu.memory_space<hbm>>
    %dma_wait3A_22 = tpu.memref_slice %arg3[%add3A_8] : memref<12800000xf32, #tpu.memory_space<hbm>> -> memref<25000xf32, #tpu.memory_space<hbm>>
    tpu.wait_dma2 semaphore(%arg8 : memref<!tpu.dma_semaphore, #tpu.memory_space<semaphore_mem>>) src(%arg4 : memref<25000xf32, #tpu.memory_space<vmem>>) dst(%dma_wait3A_22 : memref<25000xf32, #tpu.memory_space<hbm>>)
    %add3A_23 = arith.constant 50000 : i32
    %add3A_24 = arith.addi %mul3A_2, %add3A_23 : i32
    %dma_start3A_25 = tpu.memref_slice %arg2[%add3A_24] : memref<12800000xf32, #tpu.memory_space<hbm>> -> memref<25000xf32, #tpu.memory_space<hbm>>
    %dma_start3A_26 = tpu.memref_slice %arg2[%add3A_24] : memref<12800000xf32, #tpu.memory_space<hbm>> -> memref<25000xf32, #tpu.memory_space<hbm>>
    tpu.enqueue_dma source(%dma_start3A_26 : memref<25000xf32, #tpu.memory_space<hbm>>) target(%arg4 : memref<25000xf32, #tpu.memory_space<vmem>>) target_semaphore(%arg6 : memref<!tpu.dma_semaphore, #tpu.memory_space<semaphore_mem>>)
    %dma_wait3A_27 = tpu.memref_slice %arg2[%add3A_24] : memref<12800000xf32, #tpu.memory_space<hbm>> -> memref<25000xf32, #tpu.memory_space<hbm>>
    %dma_wait3A_28 = tpu.memref_slice %arg2[%add3A_24] : memref<12800000xf32, #tpu.memory_space<hbm>> -> memref<25000xf32, #tpu.memory_space<hbm>>
    tpu.wait_dma2 semaphore(%arg6 : memref<!tpu.dma_semaphore, #tpu.memory_space<semaphore_mem>>) src(%dma_wait3A_28 : memref<25000xf32, #tpu.memory_space<hbm>>) dst(%arg4 : memref<25000xf32, #tpu.memory_space<vmem>>)
    %add3A_29 = arith.constant 50000 : i32
    %add3A_30 = arith.addi %mul3A_2, %add3A_29 : i32
    %dma_start3A_31 = tpu.memref_slice %arg3[%add3A_30] : memref<12800000xf32, #tpu.memory_space<hbm>> -> memref<25000xf32, #tpu.memory_space<hbm>>
    %dma_start3A_32 = tpu.memref_slice %arg3[%add3A_30] : memref<12800000xf32, #tpu.memory_space<hbm>> -> memref<25000xf32, #tpu.memory_space<hbm>>
    tpu.enqueue_dma source(%arg4 : memref<25000xf32, #tpu.memory_space<vmem>>) target(%dma_start3A_32 : memref<25000xf32, #tpu.memory_space<hbm>>) target_semaphore(%arg8 : memref<!tpu.dma_semaphore, #tpu.memory_space<semaphore_mem>>)
    %dma_wait3A_33 = tpu.memref_slice %arg3[%add3A_18] : memref<12800000xf32, #tpu.memory_space<hbm>> -> memref<25000xf32, #tpu.memory_space<hbm>>
    %dma_wait3A_34 = tpu.memref_slice %arg3[%add3A_18] : memref<12800000xf32, #tpu.memory_space<hbm>> -> memref<25000xf32, #tpu.memory_space<hbm>>
    tpu.wait_dma2 semaphore(%arg9 : memref<!tpu.dma_semaphore, #tpu.memory_space<semaphore_mem>>) src(%arg5 : memref<25000xf32, #tpu.memory_space<vmem>>) dst(%dma_wait3A_34 : memref<25000xf32, #tpu.memory_space<hbm>>)
    %add3A_35 = arith.constant 75000 : i32
    %add3A_36 = arith.addi %mul3A_2, %add3A_35 : i32
    %dma_start3A_37 = tpu.memref_slice %arg2[%add3A_36] : memref<12800000xf32, #tpu.memory_space<hbm>> -> memref<25000xf32, #tpu.memory_space<hbm>>
    %dma_start3A_38 = tpu.memref_slice %arg2[%add3A_36] : memref<12800000xf32, #tpu.memory_space<hbm>> -> memref<25000xf32, #tpu.memory_space<hbm>>
    tpu.enqueue_dma source(%dma_start3A_38 : memref<25000xf32, #tpu.memory_space<hbm>>) target(%arg5 : memref<25000xf32, #tpu.memory_space<vmem>>) target_semaphore(%arg7 : memref<!tpu.dma_semaphore, #tpu.memory_space<semaphore_mem>>)
    %dma_wait3A_39 = tpu.memref_slice %arg2[%add3A_36] : memref<12800000xf32, #tpu.memory_space<hbm>> -> memref<25000xf32, #tpu.memory_space<hbm>>
    %dma_wait3A_40 = tpu.memref_slice %arg2[%add3A_36] : memref<12800000xf32, #tpu.memory_space<hbm>> -> memref<25000xf32, #tpu.memory_space<hbm>>
    tpu.wait_dma2 semaphore(%arg7 : memref<!tpu.dma_semaphore, #tpu.memory_space<semaphore_mem>>) src(%dma_wait3A_40 : memref<25000xf32, #tpu.memory_space<hbm>>) dst(%arg5 : memref<25000xf32, #tpu.memory_space<vmem>>)
    %add3A_41 = arith.constant 75000 : i32
    %add3A_42 = arith.addi %mul3A_2, %add3A_41 : i32
    %dma_start3A_43 = tpu.memref_slice %arg3[%add3A_42] : memref<12800000xf32, #tpu.memory_space<hbm>> -> memref<25000xf32, #tpu.memory_space<hbm>>
    %dma_start3A_44 = tpu.memref_slice %arg3[%add3A_42] : memref<12800000xf32, #tpu.memory_space<hbm>> -> memref<25000xf32, #tpu.memory_space<hbm>>
    tpu.enqueue_dma source(%arg5 : memref<25000xf32, #tpu.memory_space<vmem>>) target(%dma_start3A_44 : memref<25000xf32, #tpu.memory_space<hbm>>) target_semaphore(%arg9 : memref<!tpu.dma_semaphore, #tpu.memory_space<semaphore_mem>>)
    %dma_wait3A_45 = tpu.memref_slice %arg3[%add3A_30] : memref<12800000xf32, #tpu.memory_space<hbm>> -> memref<25000xf32, #tpu.memory_space<hbm>>
    %dma_wait3A_46 = tpu.memref_slice %arg3[%add3A_30] : memref<12800000xf32, #tpu.memory_space<hbm>> -> memref<25000xf32, #tpu.memory_space<hbm>>
    tpu.wait_dma2 semaphore(%arg8 : memref<!tpu.dma_semaphore, #tpu.memory_space<semaphore_mem>>) src(%arg4 : memref<25000xf32, #tpu.memory_space<vmem>>) dst(%dma_wait3A_46 : memref<25000xf32, #tpu.memory_space<hbm>>)
    %add3A_47 = arith.constant 100000 : i32
    %add3A_48 = arith.addi %mul3A_2, %add3A_47 : i32
    %dma_start3A_49 = tpu.memref_slice %arg2[%add3A_48] : memref<12800000xf32, #tpu.memory_space<hbm>> -> memref<25000xf32, #tpu.memory_space<hbm>>
    %dma_start3A_50 = tpu.memref_slice %arg2[%add3A_48] : memref<12800000xf32, #tpu.memory_space<hbm>> -> memref<25000xf32, #tpu.memory_space<hbm>>
    tpu.enqueue_dma source(%dma_start3A_50 : memref<25000xf32, #tpu.memory_space<hbm>>) target(%arg4 : memref<25000xf32, #tpu.memory_space<vmem>>) target_semaphore(%arg6 : memref<!tpu.dma_semaphore, #tpu.memory_space<semaphore_mem>>)
    %dma_wait3A_51 = tpu.memref_slice %arg2[%add3A_48] : memref<12800000xf32, #tpu.memory_space<hbm>> -> memref<25000xf32, #tpu.memory_space<hbm>>
    %dma_wait3A_52 = tpu.memref_slice %arg2[%add3A_48] : memref<12800000xf32, #tpu.memory_space<hbm>> -> memref<25000xf32, #tpu.memory_space<hbm>>
    tpu.wait_dma2 semaphore(%arg6 : memref<!tpu.dma_semaphore, #tpu.memory_space<semaphore_mem>>) src(%dma_wait3A_52 : memref<25000xf32, #tpu.memory_space<hbm>>) dst(%arg4 : memref<25000xf32, #tpu.memory_space<vmem>>)
    %add3A_53 = arith.constant 100000 : i32
    %add3A_54 = arith.addi %mul3A_2, %add3A_53 : i32
    %dma_start3A_55 = tpu.memref_slice %arg3[%add3A_54] : memref<12800000xf32, #tpu.memory_space<hbm>> -> memref<25000xf32, #tpu.memory_space<hbm>>
    %dma_start3A_56 = tpu.memref_slice %arg3[%add3A_54] : memref<12800000xf32, #tpu.memory_space<hbm>> -> memref<25000xf32, #tpu.memory_space<hbm>>
    tpu.enqueue_dma source(%arg4 : memref<25000xf32, #tpu.memory_space<vmem>>) target(%dma_start3A_56 : memref<25000xf32, #tpu.memory_space<hbm>>) target_semaphore(%arg8 : memref<!tpu.dma_semaphore, #tpu.memory_space<semaphore_mem>>)
    %dma_wait3A_57 = tpu.memref_slice %arg3[%add3A_42] : memref<12800000xf32, #tpu.memory_space<hbm>> -> memref<25000xf32, #tpu.memory_space<hbm>>
    %dma_wait3A_58 = tpu.memref_slice %arg3[%add3A_42] : memref<12800000xf32, #tpu.memory_space<hbm>> -> memref<25000xf32, #tpu.memory_space<hbm>>
    tpu.wait_dma2 semaphore(%arg9 : memref<!tpu.dma_semaphore, #tpu.memory_space<semaphore_mem>>) src(%arg5 : memref<25000xf32, #tpu.memory_space<vmem>>) dst(%dma_wait3A_58 : memref<25000xf32, #tpu.memory_space<hbm>>)
    %add3A_59 = arith.constant 125000 : i32
    %add3A_60 = arith.addi %mul3A_2, %add3A_59 : i32
    %dma_start3A_61 = tpu.memref_slice %arg2[%add3A_60] : memref<12800000xf32, #tpu.memory_space<hbm>> -> memref<25000xf32, #tpu.memory_space<hbm>>
    %dma_start3A_62 = tpu.memref_slice %arg2[%add3A_60] : memref<12800000xf32, #tpu.memory_space<hbm>> -> memref<25000xf32, #tpu.memory_space<hbm>>
    tpu.enqueue_dma source(%dma_start3A_62 : memref<25000xf32, #tpu.memory_space<hbm>>) target(%arg5 : memref<25000xf32, #tpu.memory_space<vmem>>) target_semaphore(%arg7 : memref<!tpu.dma_semaphore, #tpu.memory_space<semaphore_mem>>)
    %dma_wait3A_63 = tpu.memref_slice %arg2[%add3A_60] : memref<12800000xf32, #tpu.memory_space<hbm>> -> memref<25000xf32, #tpu.memory_space<hbm>>
    %dma_wait3A_64 = tpu.memref_slice %arg2[%add3A_60] : memref<12800000xf32, #tpu.memory_space<hbm>> -> memref<25000xf32, #tpu.memory_space<hbm>>
    tpu.wait_dma2 semaphore(%arg7 : memref<!tpu.dma_semaphore, #tpu.memory_space<semaphore_mem>>) src(%dma_wait3A_64 : memref<25000xf32, #tpu.memory_space<hbm>>) dst(%arg5 : memref<25000xf32, #tpu.memory_space<vmem>>)
    %add3A_65 = arith.constant 125000 : i32
    %add3A_66 = arith.addi %mul3A_2, %add3A_65 : i32
    %dma_start3A_67 = tpu.memref_slice %arg3[%add3A_66] : memref<12800000xf32, #tpu.memory_space<hbm>> -> memref<25000xf32, #tpu.memory_space<hbm>>
    %dma_start3A_68 = tpu.memref_slice %arg3[%add3A_66] : memref<12800000xf32, #tpu.memory_space<hbm>> -> memref<25000xf32, #tpu.memory_space<hbm>>
    tpu.enqueue_dma source(%arg5 : memref<25000xf32, #tpu.memory_space<vmem>>) target(%dma_start3A_68 : memref<25000xf32, #tpu.memory_space<hbm>>) target_semaphore(%arg9 : memref<!tpu.dma_semaphore, #tpu.memory_space<semaphore_mem>>)
    %dma_wait3A_69 = tpu.memref_slice %arg3[%add3A_54] : memref<12800000xf32, #tpu.memory_space<hbm>> -> memref<25000xf32, #tpu.memory_space<hbm>>
    %dma_wait3A_70 = tpu.memref_slice %arg3[%add3A_54] : memref<12800000xf32, #tpu.memory_space<hbm>> -> memref<25000xf32, #tpu.memory_space<hbm>>
    tpu.wait_dma2 semaphore(%arg8 : memref<!tpu.dma_semaphore, #tpu.memory_space<semaphore_mem>>) src(%arg4 : memref<25000xf32, #tpu.memory_space<vmem>>) dst(%dma_wait3A_70 : memref<25000xf32, #tpu.memory_space<hbm>>)
    %add3A_71 = arith.constant 150000 : i32
    %add3A_72 = arith.addi %mul3A_2, %add3A_71 : i32
    %dma_start3A_73 = tpu.memref_slice %arg2[%add3A_72] : memref<12800000xf32, #tpu.memory_space<hbm>> -> memref<25000xf32, #tpu.memory_space<hbm>>
    %dma_start3A_74 = tpu.memref_slice %arg2[%add3A_72] : memref<12800000xf32, #tpu.memory_space<hbm>> -> memref<25000xf32, #tpu.memory_space<hbm>>
    tpu.enqueue_dma source(%dma_start3A_74 : memref<25000xf32, #tpu.memory_space<hbm>>) target(%arg4 : memref<25000xf32, #tpu.memory_space<vmem>>) target_semaphore(%arg6 : memref<!tpu.dma_semaphore, #tpu.memory_space<semaphore_mem>>)
    %dma_wait3A_75 = tpu.memref_slice %arg2[%add3A_72] : memref<12800000xf32, #tpu.memory_space<hbm>> -> memref<25000xf32, #tpu.memory_space<hbm>>
    %dma_wait3A_76 = tpu.memref_slice %arg2[%add3A_72] : memref<12800000xf32, #tpu.memory_space<hbm>> -> memref<25000xf32, #tpu.memory_space<hbm>>
    tpu.wait_dma2 semaphore(%arg6 : memref<!tpu.dma_semaphore, #tpu.memory_space<semaphore_mem>>) src(%dma_wait3A_76 : memref<25000xf32, #tpu.memory_space<hbm>>) dst(%arg4 : memref<25000xf32, #tpu.memory_space<vmem>>)
    %add3A_77 = arith.constant 150000 : i32
    %add3A_78 = arith.addi %mul3A_2, %add3A_77 : i32
    %dma_start3A_79 = tpu.memref_slice %arg3[%add3A_78] : memref<12800000xf32, #tpu.memory_space<hbm>> -> memref<25000xf32, #tpu.memory_space<hbm>>
    %dma_start3A_80 = tpu.memref_slice %arg3[%add3A_78] : memref<12800000xf32, #tpu.memory_space<hbm>> -> memref<25000xf32, #tpu.memory_space<hbm>>
    tpu.enqueue_dma source(%arg4 : memref<25000xf32, #tpu.memory_space<vmem>>) target(%dma_start3A_80 : memref<25000xf32, #tpu.memory_space<hbm>>) target_semaphore(%arg8 : memref<!tpu.dma_semaphore, #tpu.memory_space<semaphore_mem>>)
    %dma_wait3A_81 = tpu.memref_slice %arg3[%add3A_66] : memref<12800000xf32, #tpu.memory_space<hbm>> -> memref<25000xf32, #tpu.memory_space<hbm>>
    %dma_wait3A_82 = tpu.memref_slice %arg3[%add3A_66] : memref<12800000xf32, #tpu.memory_space<hbm>> -> memref<25000xf32, #tpu.memory_space<hbm>>
    tpu.wait_dma2 semaphore(%arg9 : memref<!tpu.dma_semaphore, #tpu.memory_space<semaphore_mem>>) src(%arg5 : memref<25000xf32, #tpu.memory_space<vmem>>) dst(%dma_wait3A_82 : memref<25000xf32, #tpu.memory_space<hbm>>)
    %add3A_83 = arith.constant 175000 : i32
    %add3A_84 = arith.addi %mul3A_2, %add3A_83 : i32
    %dma_start3A_85 = tpu.memref_slice %arg2[%add3A_84] : memref<12800000xf32, #tpu.memory_space<hbm>> -> memref<25000xf32, #tpu.memory_space<hbm>>
    %dma_start3A_86 = tpu.memref_slice %arg2[%add3A_84] : memref<12800000xf32, #tpu.memory_space<hbm>> -> memref<25000xf32, #tpu.memory_space<hbm>>
    tpu.enqueue_dma source(%dma_start3A_86 : memref<25000xf32, #tpu.memory_space<hbm>>) target(%arg5 : memref<25000xf32, #tpu.memory_space<vmem>>) target_semaphore(%arg7 : memref<!tpu.dma_semaphore, #tpu.memory_space<semaphore_mem>>)
    %dma_wait3A_87 = tpu.memref_slice %arg2[%add3A_84] : memref<12800000xf32, #tpu.memory_space<hbm>> -> memref<25000xf32, #tpu.memory_space<hbm>>
    %dma_wait3A_88 = tpu.memref_slice %arg2[%add3A_84] : memref<12800000xf32, #tpu.memory_space<hbm>> -> memref<25000xf32, #tpu.memory_space<hbm>>
    tpu.wait_dma2 semaphore(%arg7 : memref<!tpu.dma_semaphore, #tpu.memory_space<semaphore_mem>>) src(%dma_wait3A_88 : memref<25000xf32, #tpu.memory_space<hbm>>) dst(%arg5 : memref<25000xf32, #tpu.memory_space<vmem>>)
    %add3A_89 = arith.constant 175000 : i32
    %add3A_90 = arith.addi %mul3A_2, %add3A_89 : i32
    %dma_start3A_91 = tpu.memref_slice %arg3[%add3A_90] : memref<12800000xf32, #tpu.memory_space<hbm>> -> memref<25000xf32, #tpu.memory_space<hbm>>
    %dma_start3A_92 = tpu.memref_slice %arg3[%add3A_90] : memref<12800000xf32, #tpu.memory_space<hbm>> -> memref<25000xf32, #tpu.memory_space<hbm>>
    tpu.enqueue_dma source(%arg5 : memref<25000xf32, #tpu.memory_space<vmem>>) target(%dma_start3A_92 : memref<25000xf32, #tpu.memory_space<hbm>>) target_semaphore(%arg9 : memref<!tpu.dma_semaphore, #tpu.memory_space<semaphore_mem>>)
    %dma_wait3A_93 = tpu.memref_slice %arg3[%add3A_78] : memref<12800000xf32, #tpu.memory_space<hbm>> -> memref<25000xf32, #tpu.memory_space<hbm>>
    %dma_wait3A_94 = tpu.memref_slice %arg3[%add3A_78] : memref<12800000xf32, #tpu.memory_space<hbm>> -> memref<25000xf32, #tpu.memory_space<hbm>>
    tpu.wait_dma2 semaphore(%arg8 : memref<!tpu.dma_semaphore, #tpu.memory_space<semaphore_mem>>) src(%arg4 : memref<25000xf32, #tpu.memory_space<vmem>>) dst(%dma_wait3A_94 : memref<25000xf32, #tpu.memory_space<hbm>>)
    %add3A_95 = arith.constant 200000 : i32
    %add3A_96 = arith.addi %mul3A_2, %add3A_95 : i32
    %dma_start3A_97 = tpu.memref_slice %arg2[%add3A_96] : memref<12800000xf32, #tpu.memory_space<hbm>> -> memref<25000xf32, #tpu.memory_space<hbm>>
    %dma_start3A_98 = tpu.memref_slice %arg2[%add3A_96] : memref<12800000xf32, #tpu.memory_space<hbm>> -> memref<25000xf32, #tpu.memory_space<hbm>>
    tpu.enqueue_dma source(%dma_start3A_98 : memref<25000xf32, #tpu.memory_space<hbm>>) target(%arg4 : memref<25000xf32, #tpu.memory_space<vmem>>) target_semaphore(%arg6 : memref<!tpu.dma_semaphore, #tpu.memory_space<semaphore_mem>>)
    %dma_wait3A_99 = tpu.memref_slice %arg2[%add3A_96] : memref<12800000xf32, #tpu.memory_space<hbm>> -> memref<25000xf32, #tpu.memory_space<hbm>>
    %dma_wait3A_100 = tpu.memref_slice %arg2[%add3A_96] : memref<12800000xf32, #tpu.memory_space<hbm>> -> memref<25000xf32, #tpu.memory_space<hbm>>
    tpu.wait_dma2 semaphore(%arg6 : memref<!tpu.dma_semaphore, #tpu.memory_space<semaphore_mem>>) src(%dma_wait3A_100 : memref<25000xf32, #tpu.memory_space<hbm>>) dst(%arg4 : memref<25000xf32, #tpu.memory_space<vmem>>)
    %add3A_101 = arith.constant 200000 : i32
    %add3A_102 = arith.addi %mul3A_2, %add3A_101 : i32
    %dma_start3A_103 = tpu.memref_slice %arg3[%add3A_102] : memref<12800000xf32, #tpu.memory_space<hbm>> -> memref<25000xf32, #tpu.memory_space<hbm>>
    %dma_start3A_104 = tpu.memref_slice %arg3[%add3A_102] : memref<12800000xf32, #tpu.memory_space<hbm>> -> memref<25000xf32, #tpu.memory_space<hbm>>
    tpu.enqueue_dma source(%arg4 : memref<25000xf32, #tpu.memory_space<vmem>>) target(%dma_start3A_104 : memref<25000xf32, #tpu.memory_space<hbm>>) target_semaphore(%arg8 : memref<!tpu.dma_semaphore, #tpu.memory_space<semaphore_mem>>)
    %dma_wait3A_105 = tpu.memref_slice %arg3[%add3A_90] : memref<12800000xf32, #tpu.memory_space<hbm>> -> memref<25000xf32, #tpu.memory_space<hbm>>
    %dma_wait3A_106 = tpu.memref_slice %arg3[%add3A_90] : memref<12800000xf32, #tpu.memory_space<hbm>> -> memref<25000xf32, #tpu.memory_space<hbm>>
    tpu.wait_dma2 semaphore(%arg9 : memref<!tpu.dma_semaphore, #tpu.memory_space<semaphore_mem>>) src(%arg5 : memref<25000xf32, #tpu.memory_space<vmem>>) dst(%dma_wait3A_106 : memref<25000xf32, #tpu.memory_space<hbm>>)
    %add3A_107 = arith.constant 225000 : i32
    %add3A_108 = arith.addi %mul3A_2, %add3A_107 : i32
    %dma_start3A_109 = tpu.memref_slice %arg2[%add3A_108] : memref<12800000xf32, #tpu.memory_space<hbm>> -> memref<25000xf32, #tpu.memory_space<hbm>>
    %dma_start3A_110 = tpu.memref_slice %arg2[%add3A_108] : memref<12800000xf32, #tpu.memory_space<hbm>> -> memref<25000xf32, #tpu.memory_space<hbm>>
    tpu.enqueue_dma source(%dma_start3A_110 : memref<25000xf32, #tpu.memory_space<hbm>>) target(%arg5 : memref<25000xf32, #tpu.memory_space<vmem>>) target_semaphore(%arg7 : memref<!tpu.dma_semaphore, #tpu.memory_space<semaphore_mem>>)
    %dma_wait3A_111 = tpu.memref_slice %arg2[%add3A_108] : memref<12800000xf32, #tpu.memory_space<hbm>> -> memref<25000xf32, #tpu.memory_space<hbm>>
    %dma_wait3A_112 = tpu.memref_slice %arg2[%add3A_108] : memref<12800000xf32, #tpu.memory_space<hbm>> -> memref<25000xf32, #tpu.memory_space<hbm>>
    tpu.wait_dma2 semaphore(%arg7 : memref<!tpu.dma_semaphore, #tpu.memory_space<semaphore_mem>>) src(%dma_wait3A_112 : memref<25000xf32, #tpu.memory_space<hbm>>) dst(%arg5 : memref<25000xf32, #tpu.memory_space<vmem>>)
    %add3A_113 = arith.constant 225000 : i32
    %add3A_114 = arith.addi %mul3A_2, %add3A_113 : i32
    %dma_start3A_115 = tpu.memref_slice %arg3[%add3A_114] : memref<12800000xf32, #tpu.memory_space<hbm>> -> memref<25000xf32, #tpu.memory_space<hbm>>
    %dma_start3A_116 = tpu.memref_slice %arg3[%add3A_114] : memref<12800000xf32, #tpu.memory_space<hbm>> -> memref<25000xf32, #tpu.memory_space<hbm>>
    tpu.enqueue_dma source(%arg5 : memref<25000xf32, #tpu.memory_space<vmem>>) target(%dma_start3A_116 : memref<25000xf32, #tpu.memory_space<hbm>>) target_semaphore(%arg9 : memref<!tpu.dma_semaphore, #tpu.memory_space<semaphore_mem>>)
    %dma_wait3A_117 = tpu.memref_slice %arg3[%add3A_102] : memref<12800000xf32, #tpu.memory_space<hbm>> -> memref<25000xf32, #tpu.memory_space<hbm>>
    %dma_wait3A_118 = tpu.memref_slice %arg3[%add3A_102] : memref<12800000xf32, #tpu.memory_space<hbm>> -> memref<25000xf32, #tpu.memory_space<hbm>>
    tpu.wait_dma2 semaphore(%arg8 : memref<!tpu.dma_semaphore, #tpu.memory_space<semaphore_mem>>) src(%arg4 : memref<25000xf32, #tpu.memory_space<vmem>>) dst(%dma_wait3A_118 : memref<25000xf32, #tpu.memory_space<hbm>>)
    %add3A_119 = arith.constant 250000 : i32
    %add3A_120 = arith.addi %mul3A_2, %add3A_119 : i32
    %dma_start3A_121 = tpu.memref_slice %arg2[%add3A_120] : memref<12800000xf32, #tpu.memory_space<hbm>> -> memref<25000xf32, #tpu.memory_space<hbm>>
    %dma_start3A_122 = tpu.memref_slice %arg2[%add3A_120] : memref<12800000xf32, #tpu.memory_space<hbm>> -> memref<25000xf32, #tpu.memory_space<hbm>>
    tpu.enqueue_dma source(%dma_start3A_122 : memref<25000xf32, #tpu.memory_space<hbm>>) target(%arg4 : memref<25000xf32, #tpu.memory_space<vmem>>) target_semaphore(%arg6 : memref<!tpu.dma_semaphore, #tpu.memory_space<semaphore_mem>>)
    %dma_wait3A_123 = tpu.memref_slice %arg2[%add3A_120] : memref<12800000xf32, #tpu.memory_space<hbm>> -> memref<25000xf32, #tpu.memory_space<hbm>>
    %dma_wait3A_124 = tpu.memref_slice %arg2[%add3A_120] : memref<12800000xf32, #tpu.memory_space<hbm>> -> memref<25000xf32, #tpu.memory_space<hbm>>
    tpu.wait_dma2 semaphore(%arg6 : memref<!tpu.dma_semaphore, #tpu.memory_space<semaphore_mem>>) src(%dma_wait3A_124 : memref<25000xf32, #tpu.memory_space<hbm>>) dst(%arg4 : memref<25000xf32, #tpu.memory_space<vmem>>)
    %add3A_125 = arith.constant 250000 : i32
    %add3A_126 = arith.addi %mul3A_2, %add3A_125 : i32
    %dma_start3A_127 = tpu.memref_slice %arg3[%add3A_126] : memref<12800000xf32, #tpu.memory_space<hbm>> -> memref<25000xf32, #tpu.memory_space<hbm>>
    %dma_start3A_128 = tpu.memref_slice %arg3[%add3A_126] : memref<12800000xf32, #tpu.memory_space<hbm>> -> memref<25000xf32, #tpu.memory_space<hbm>>
    tpu.enqueue_dma source(%arg4 : memref<25000xf32, #tpu.memory_space<vmem>>) target(%dma_start3A_128 : memref<25000xf32, #tpu.memory_space<hbm>>) target_semaphore(%arg8 : memref<!tpu.dma_semaphore, #tpu.memory_space<semaphore_mem>>)
    %dma_wait3A_129 = tpu.memref_slice %arg3[%add3A_114] : memref<12800000xf32, #tpu.memory_space<hbm>> -> memref<25000xf32, #tpu.memory_space<hbm>>
    %dma_wait3A_130 = tpu.memref_slice %arg3[%add3A_114] : memref<12800000xf32, #tpu.memory_space<hbm>> -> memref<25000xf32, #tpu.memory_space<hbm>>
    tpu.wait_dma2 semaphore(%arg9 : memref<!tpu.dma_semaphore, #tpu.memory_space<semaphore_mem>>) src(%arg5 : memref<25000xf32, #tpu.memory_space<vmem>>) dst(%dma_wait3A_130 : memref<25000xf32, #tpu.memory_space<hbm>>)
    %add3A_131 = arith.constant 275000 : i32
    %add3A_132 = arith.addi %mul3A_2, %add3A_131 : i32
    %dma_start3A_133 = tpu.memref_slice %arg2[%add3A_132] : memref<12800000xf32, #tpu.memory_space<hbm>> -> memref<25000xf32, #tpu.memory_space<hbm>>
    %dma_start3A_134 = tpu.memref_slice %arg2[%add3A_132] : memref<12800000xf32, #tpu.memory_space<hbm>> -> memref<25000xf32, #tpu.memory_space<hbm>>
    tpu.enqueue_dma source(%dma_start3A_134 : memref<25000xf32, #tpu.memory_space<hbm>>) target(%arg5 : memref<25000xf32, #tpu.memory_space<vmem>>) target_semaphore(%arg7 : memref<!tpu.dma_semaphore, #tpu.memory_space<semaphore_mem>>)
    %dma_wait3A_135 = tpu.memref_slice %arg2[%add3A_132] : memref<12800000xf32, #tpu.memory_space<hbm>> -> memref<25000xf32, #tpu.memory_space<hbm>>
    %dma_wait3A_136 = tpu.memref_slice %arg2[%add3A_132] : memref<12800000xf32, #tpu.memory_space<hbm>> -> memref<25000xf32, #tpu.memory_space<hbm>>
    tpu.wait_dma2 semaphore(%arg7 : memref<!tpu.dma_semaphore, #tpu.memory_space<semaphore_mem>>) src(%dma_wait3A_136 : memref<25000xf32, #tpu.memory_space<hbm>>) dst(%arg5 : memref<25000xf32, #tpu.memory_space<vmem>>)
    %add3A_137 = arith.constant 275000 : i32
    %add3A_138 = arith.addi %mul3A_2, %add3A_137 : i32
    %dma_start3A_139 = tpu.memref_slice %arg3[%add3A_138] : memref<12800000xf32, #tpu.memory_space<hbm>> -> memref<25000xf32, #tpu.memory_space<hbm>>
    %dma_start3A_140 = tpu.memref_slice %arg3[%add3A_138] : memref<12800000xf32, #tpu.memory_space<hbm>> -> memref<25000xf32, #tpu.memory_space<hbm>>
    tpu.enqueue_dma source(%arg5 : memref<25000xf32, #tpu.memory_space<vmem>>) target(%dma_start3A_140 : memref<25000xf32, #tpu.memory_space<hbm>>) target_semaphore(%arg9 : memref<!tpu.dma_semaphore, #tpu.memory_space<semaphore_mem>>)
    %dma_wait3A_141 = tpu.memref_slice %arg3[%add3A_126] : memref<12800000xf32, #tpu.memory_space<hbm>> -> memref<25000xf32, #tpu.memory_space<hbm>>
    %dma_wait3A_142 = tpu.memref_slice %arg3[%add3A_126] : memref<12800000xf32, #tpu.memory_space<hbm>> -> memref<25000xf32, #tpu.memory_space<hbm>>
    tpu.wait_dma2 semaphore(%arg8 : memref<!tpu.dma_semaphore, #tpu.memory_space<semaphore_mem>>) src(%arg4 : memref<25000xf32, #tpu.memory_space<vmem>>) dst(%dma_wait3A_142 : memref<25000xf32, #tpu.memory_space<hbm>>)
    %add3A_143 = arith.constant 300000 : i32
    %add3A_144 = arith.addi %mul3A_2, %add3A_143 : i32
    %dma_start3A_145 = tpu.memref_slice %arg2[%add3A_144] : memref<12800000xf32, #tpu.memory_space<hbm>> -> memref<25000xf32, #tpu.memory_space<hbm>>
    %dma_start3A_146 = tpu.memref_slice %arg2[%add3A_144] : memref<12800000xf32, #tpu.memory_space<hbm>> -> memref<25000xf32, #tpu.memory_space<hbm>>
    tpu.enqueue_dma source(%dma_start3A_146 : memref<25000xf32, #tpu.memory_space<hbm>>) target(%arg4 : memref<25000xf32, #tpu.memory_space<vmem>>) target_semaphore(%arg6 : memref<!tpu.dma_semaphore, #tpu.memory_space<semaphore_mem>>)
    %dma_wait3A_147 = tpu.memref_slice %arg2[%add3A_144] : memref<12800000xf32, #tpu.memory_space<hbm>> -> memref<25000xf32, #tpu.memory_space<hbm>>
    %dma_wait3A_148 = tpu.memref_slice %arg2[%add3A_144] : memref<12800000xf32, #tpu.memory_space<hbm>> -> memref<25000xf32, #tpu.memory_space<hbm>>
    tpu.wait_dma2 semaphore(%arg6 : memref<!tpu.dma_semaphore, #tpu.memory_space<semaphore_mem>>) src(%dma_wait3A_148 : memref<25000xf32, #tpu.memory_space<hbm>>) dst(%arg4 : memref<25000xf32, #tpu.memory_space<vmem>>)
    %add3A_149 = arith.constant 300000 : i32
    %add3A_150 = arith.addi %mul3A_2, %add3A_149 : i32
    %dma_start3A_151 = tpu.memref_slice %arg3[%add3A_150] : memref<12800000xf32, #tpu.memory_space<hbm>> -> memref<25000xf32, #tpu.memory_space<hbm>>
    %dma_start3A_152 = tpu.memref_slice %arg3[%add3A_150] : memref<12800000xf32, #tpu.memory_space<hbm>> -> memref<25000xf32, #tpu.memory_space<hbm>>
    tpu.enqueue_dma source(%arg4 : memref<25000xf32, #tpu.memory_space<vmem>>) target(%dma_start3A_152 : memref<25000xf32, #tpu.memory_space<hbm>>) target_semaphore(%arg8 : memref<!tpu.dma_semaphore, #tpu.memory_space<semaphore_mem>>)
    %dma_wait3A_153 = tpu.memref_slice %arg3[%add3A_138] : memref<12800000xf32, #tpu.memory_space<hbm>> -> memref<25000xf32, #tpu.memory_space<hbm>>
    %dma_wait3A_154 = tpu.memref_slice %arg3[%add3A_138] : memref<12800000xf32, #tpu.memory_space<hbm>> -> memref<25000xf32, #tpu.memory_space<hbm>>
    tpu.wait_dma2 semaphore(%arg9 : memref<!tpu.dma_semaphore, #tpu.memory_space<semaphore_mem>>) src(%arg5 : memref<25000xf32, #tpu.memory_space<vmem>>) dst(%dma_wait3A_154 : memref<25000xf32, #tpu.memory_space<hbm>>)
    %add3A_155 = arith.constant 325000 : i32
    %add3A_156 = arith.addi %mul3A_2, %add3A_155 : i32
    %dma_start3A_157 = tpu.memref_slice %arg2[%add3A_156] : memref<12800000xf32, #tpu.memory_space<hbm>> -> memref<25000xf32, #tpu.memory_space<hbm>>
    %dma_start3A_158 = tpu.memref_slice %arg2[%add3A_156] : memref<12800000xf32, #tpu.memory_space<hbm>> -> memref<25000xf32, #tpu.memory_space<hbm>>
    tpu.enqueue_dma source(%dma_start3A_158 : memref<25000xf32, #tpu.memory_space<hbm>>) target(%arg5 : memref<25000xf32, #tpu.memory_space<vmem>>) target_semaphore(%arg7 : memref<!tpu.dma_semaphore, #tpu.memory_space<semaphore_mem>>)
    %dma_wait3A_159 = tpu.memref_slice %arg2[%add3A_156] : memref<12800000xf32, #tpu.memory_space<hbm>> -> memref<25000xf32, #tpu.memory_space<hbm>>
    %dma_wait3A_160 = tpu.memref_slice %arg2[%add3A_156] : memref<12800000xf32, #tpu.memory_space<hbm>> -> memref<25000xf32, #tpu.memory_space<hbm>>
    tpu.wait_dma2 semaphore(%arg7 : memref<!tpu.dma_semaphore, #tpu.memory_space<semaphore_mem>>) src(%dma_wait3A_160 : memref<25000xf32, #tpu.memory_space<hbm>>) dst(%arg5 : memref<25000xf32, #tpu.memory_space<vmem>>)
    %add3A_161 = arith.constant 325000 : i32
    %add3A_162 = arith.addi %mul3A_2, %add3A_161 : i32
    %dma_start3A_163 = tpu.memref_slice %arg3[%add3A_162] : memref<12800000xf32, #tpu.memory_space<hbm>> -> memref<25000xf32, #tpu.memory_space<hbm>>
    %dma_start3A_164 = tpu.memref_slice %arg3[%add3A_162] : memref<12800000xf32, #tpu.memory_space<hbm>> -> memref<25000xf32, #tpu.memory_space<hbm>>
    tpu.enqueue_dma source(%arg5 : memref<25000xf32, #tpu.memory_space<vmem>>) target(%dma_start3A_164 : memref<25000xf32, #tpu.memory_space<hbm>>) target_semaphore(%arg9 : memref<!tpu.dma_semaphore, #tpu.memory_space<semaphore_mem>>)
    %dma_wait3A_165 = tpu.memref_slice %arg3[%add3A_150] : memref<12800000xf32, #tpu.memory_space<hbm>> -> memref<25000xf32, #tpu.memory_space<hbm>>
    %dma_wait3A_166 = tpu.memref_slice %arg3[%add3A_150] : memref<12800000xf32, #tpu.memory_space<hbm>> -> memref<25000xf32, #tpu.memory_space<hbm>>
    tpu.wait_dma2 semaphore(%arg8 : memref<!tpu.dma_semaphore, #tpu.memory_space<semaphore_mem>>) src(%arg4 : memref<25000xf32, #tpu.memory_space<vmem>>) dst(%dma_wait3A_166 : memref<25000xf32, #tpu.memory_space<hbm>>)
    %add3A_167 = arith.constant 350000 : i32
    %add3A_168 = arith.addi %mul3A_2, %add3A_167 : i32
    %dma_start3A_169 = tpu.memref_slice %arg2[%add3A_168] : memref<12800000xf32, #tpu.memory_space<hbm>> -> memref<25000xf32, #tpu.memory_space<hbm>>
    %dma_start3A_170 = tpu.memref_slice %arg2[%add3A_168] : memref<12800000xf32, #tpu.memory_space<hbm>> -> memref<25000xf32, #tpu.memory_space<hbm>>
    tpu.enqueue_dma source(%dma_start3A_170 : memref<25000xf32, #tpu.memory_space<hbm>>) target(%arg4 : memref<25000xf32, #tpu.memory_space<vmem>>) target_semaphore(%arg6 : memref<!tpu.dma_semaphore, #tpu.memory_space<semaphore_mem>>)
    %dma_wait3A_171 = tpu.memref_slice %arg2[%add3A_168] : memref<12800000xf32, #tpu.memory_space<hbm>> -> memref<25000xf32, #tpu.memory_space<hbm>>
    %dma_wait3A_172 = tpu.memref_slice %arg2[%add3A_168] : memref<12800000xf32, #tpu.memory_space<hbm>> -> memref<25000xf32, #tpu.memory_space<hbm>>
    tpu.wait_dma2 semaphore(%arg6 : memref<!tpu.dma_semaphore, #tpu.memory_space<semaphore_mem>>) src(%dma_wait3A_172 : memref<25000xf32, #tpu.memory_space<hbm>>) dst(%arg4 : memref<25000xf32, #tpu.memory_space<vmem>>)
    %add3A_173 = arith.constant 350000 : i32
    %add3A_174 = arith.addi %mul3A_2, %add3A_173 : i32
    %dma_start3A_175 = tpu.memref_slice %arg3[%add3A_174] : memref<12800000xf32, #tpu.memory_space<hbm>> -> memref<25000xf32, #tpu.memory_space<hbm>>
    %dma_start3A_176 = tpu.memref_slice %arg3[%add3A_174] : memref<12800000xf32, #tpu.memory_space<hbm>> -> memref<25000xf32, #tpu.memory_space<hbm>>
    tpu.enqueue_dma source(%arg4 : memref<25000xf32, #tpu.memory_space<vmem>>) target(%dma_start3A_176 : memref<25000xf32, #tpu.memory_space<hbm>>) target_semaphore(%arg8 : memref<!tpu.dma_semaphore, #tpu.memory_space<semaphore_mem>>)
    %dma_wait3A_177 = tpu.memref_slice %arg3[%add3A_162] : memref<12800000xf32, #tpu.memory_space<hbm>> -> memref<25000xf32, #tpu.memory_space<hbm>>
    %dma_wait3A_178 = tpu.memref_slice %arg3[%add3A_162] : memref<12800000xf32, #tpu.memory_space<hbm>> -> memref<25000xf32, #tpu.memory_space<hbm>>
    tpu.wait_dma2 semaphore(%arg9 : memref<!tpu.dma_semaphore, #tpu.memory_space<semaphore_mem>>) src(%arg5 : memref<25000xf32, #tpu.memory_space<vmem>>) dst(%dma_wait3A_178 : memref<25000xf32, #tpu.memory_space<hbm>>)
    %add3A_179 = arith.constant 375000 : i32
    %add3A_180 = arith.addi %mul3A_2, %add3A_179 : i32
    %dma_start3A_181 = tpu.memref_slice %arg2[%add3A_180] : memref<12800000xf32, #tpu.memory_space<hbm>> -> memref<25000xf32, #tpu.memory_space<hbm>>
    %dma_start3A_182 = tpu.memref_slice %arg2[%add3A_180] : memref<12800000xf32, #tpu.memory_space<hbm>> -> memref<25000xf32, #tpu.memory_space<hbm>>
    tpu.enqueue_dma source(%dma_start3A_182 : memref<25000xf32, #tpu.memory_space<hbm>>) target(%arg5 : memref<25000xf32, #tpu.memory_space<vmem>>) target_semaphore(%arg7 : memref<!tpu.dma_semaphore, #tpu.memory_space<semaphore_mem>>)
    %dma_wait3A_183 = tpu.memref_slice %arg2[%add3A_180] : memref<12800000xf32, #tpu.memory_space<hbm>> -> memref<25000xf32, #tpu.memory_space<hbm>>
    %dma_wait3A_184 = tpu.memref_slice %arg2[%add3A_180] : memref<12800000xf32, #tpu.memory_space<hbm>> -> memref<25000xf32, #tpu.memory_space<hbm>>
    tpu.wait_dma2 semaphore(%arg7 : memref<!tpu.dma_semaphore, #tpu.memory_space<semaphore_mem>>) src(%dma_wait3A_184 : memref<25000xf32, #tpu.memory_space<hbm>>) dst(%arg5 : memref<25000xf32, #tpu.memory_space<vmem>>)
    %add3A_185 = arith.constant 375000 : i32
    %add3A_186 = arith.addi %mul3A_2, %add3A_185 : i32
    %dma_start3A_187 = tpu.memref_slice %arg3[%add3A_186] : memref<12800000xf32, #tpu.memory_space<hbm>> -> memref<25000xf32, #tpu.memory_space<hbm>>
    %dma_start3A_188 = tpu.memref_slice %arg3[%add3A_186] : memref<12800000xf32, #tpu.memory_space<hbm>> -> memref<25000xf32, #tpu.memory_space<hbm>>
    tpu.enqueue_dma source(%arg5 : memref<25000xf32, #tpu.memory_space<vmem>>) target(%dma_start3A_188 : memref<25000xf32, #tpu.memory_space<hbm>>) target_semaphore(%arg9 : memref<!tpu.dma_semaphore, #tpu.memory_space<semaphore_mem>>)
    %dma_wait3A_189 = tpu.memref_slice %arg3[%add3A_174] : memref<12800000xf32, #tpu.memory_space<hbm>> -> memref<25000xf32, #tpu.memory_space<hbm>>
    %dma_wait3A_190 = tpu.memref_slice %arg3[%add3A_174] : memref<12800000xf32, #tpu.memory_space<hbm>> -> memref<25000xf32, #tpu.memory_space<hbm>>
    tpu.wait_dma2 semaphore(%arg8 : memref<!tpu.dma_semaphore, #tpu.memory_space<semaphore_mem>>) src(%arg4 : memref<25000xf32, #tpu.memory_space<vmem>>) dst(%dma_wait3A_190 : memref<25000xf32, #tpu.memory_space<hbm>>)
    %dma_wait3A_191 = tpu.memref_slice %arg3[%add3A_186] : memref<12800000xf32, #tpu.memory_space<hbm>> -> memref<25000xf32, #tpu.memory_space<hbm>>
    %dma_wait3A_192 = tpu.memref_slice %arg3[%add3A_186] : memref<12800000xf32, #tpu.memory_space<hbm>> -> memref<25000xf32, #tpu.memory_space<hbm>>
    tpu.wait_dma2 semaphore(%arg9 : memref<!tpu.dma_semaphore, #tpu.memory_space<semaphore_mem>>) src(%arg5 : memref<25000xf32, #tpu.memory_space<vmem>>) dst(%dma_wait3A_192 : memref<25000xf32, #tpu.memory_space<hbm>>)
    return
  }
}

module attributes {stable_mosaic.version = 14 : i64} {
  func.func @_prep_body(%arg0: memref<1024x1xi32, #tpu.memory_space<vmem>>, %arg1: memref<1x1024xi32, #tpu.memory_space<vmem>>, %arg2: memref<1024x128xf32, #tpu.memory_space<vmem>>, %arg3: memref<1024x128xf32, #tpu.memory_space<vmem>>, %arg4: memref<1024x128xf32, #tpu.memory_space<vmem>>, %arg5: memref<1024x128xf32, #tpu.memory_space<vmem>>) attributes {dimension_semantics = [], scalar_prefetch = 0 : i64, scratch_operands = 0 : i64, tpu.core_type = #tpu.core_type<tc>} {
    %get3A = arith.constant 0 : index
    %get3A_0 = arith.constant 0 : index
    %get3A_1 = vector.load %arg0[%get3A, %get3A_0] : memref<1024x1xi32, #tpu.memory_space<vmem>>, vector<1024x1xi32>
    %get3A_2 = arith.constant 0 : index
    %get3A_3 = arith.constant 0 : index
    %get3A_4 = vector.load %arg1[%get3A_2, %get3A_3] : memref<1x1024xi32, #tpu.memory_space<vmem>>, vector<1x1024xi32>
    %eq3A = vector.broadcast %get3A_1 : vector<1024x1xi32> to vector<1024x1024xi32>
    %eq3A_5 = vector.broadcast %get3A_4 : vector<1x1024xi32> to vector<1024x1024xi32>
    %eq3A_6 = arith.cmpi eq, %eq3A, %eq3A_5 : vector<1024x1024xi32>
    %iota3A = tpu.iota {dimensions = array<i32: 1>} : vector<1024x1024xi32>
    %jit3A = arith.constant -1 : i32
    %broadcast_in_dim3A = vector.broadcast %jit3A : i32 to vector<1024x1024xi32>
    %select_n3A = arith.select %eq3A_6, %iota3A, %broadcast_in_dim3A : vector<1024x1024xi1>, vector<1024x1024xi32>
    %reduce_max3A = arith.constant dense<-2147483648> : vector<1024xi32>
    %reduce_max3A_7 = vector.multi_reduction <maxsi>, %select_n3A, %reduce_max3A [1] : vector<1024x1024xi32> to vector<1024xi32>
    %broadcast_in_dim3A_8 = vector.shape_cast %reduce_max3A_7 : vector<1024xi32> to vector<1024x1xi32>
    %iota3A_9 = tpu.iota {dimensions = array<i32: 0>} : vector<1024x1xi32>
    %eq3A_10 = arith.cmpi eq, %broadcast_in_dim3A_8, %iota3A_9 : vector<1024x1xi32>
    %eq3A_11 = vector.broadcast %broadcast_in_dim3A_8 : vector<1024x1xi32> to vector<1024x1024xi32>
    %eq3A_12 = arith.cmpi eq, %iota3A, %eq3A_11 : vector<1024x1024xi32>
    %convert_element_type3A = arith.extui %eq3A_12 : vector<1024x1024xi1> to vector<1024x1024xi32>
    %convert_element_type3A_13 = arith.sitofp %convert_element_type3A : vector<1024x1024xi32> to vector<1024x1024xf32>
    %convert_element_type3A_14 = arith.truncf %convert_element_type3A_13 : vector<1024x1024xf32> to vector<1024x1024xbf16>
    %get3A_15 = arith.constant 0 : index
    %get3A_16 = arith.constant 0 : index
    %get3A_17 = vector.load %arg2[%get3A_15, %get3A_16] : memref<1024x128xf32, #tpu.memory_space<vmem>>, vector<1024x128xf32>
    %convert_element_type3A_18 = arith.truncf %get3A_17 : vector<1024x128xf32> to vector<1024x128xbf16>
    %dot_general3A = arith.constant dense<0.000000e+00> : vector<1024x128xf32>
    %dot_general3A_19 = tpu.matmul %convert_element_type3A_14, %convert_element_type3A_18, %dot_general3A {dimension_numbers = #tpu.dot_dimension_numbers<[1], [0], [0], [1], [0, 0, 1, 1], [], []>, transpose_lhs_hint = false} : vector<1024x1024xbf16>, vector<1024x128xbf16>, vector<1024x128xf32> -> vector<1024x128xf32>
    %get3A_20 = arith.constant 0 : index
    %get3A_21 = arith.constant 0 : index
    %get3A_22 = vector.load %arg3[%get3A_20, %get3A_21] : memref<1024x128xf32, #tpu.memory_space<vmem>>, vector<1024x128xf32>
    %convert_element_type3A_23 = arith.truncf %get3A_22 : vector<1024x128xf32> to vector<1024x128xbf16>
    %dot_general3A_24 = arith.constant dense<0.000000e+00> : vector<1024x128xf32>
    %dot_general3A_25 = tpu.matmul %convert_element_type3A_14, %convert_element_type3A_23, %dot_general3A_24 {dimension_numbers = #tpu.dot_dimension_numbers<[1], [0], [0], [1], [0, 0, 1, 1], [], []>, transpose_lhs_hint = false} : vector<1024x1024xbf16>, vector<1024x128xbf16>, vector<1024x128xf32> -> vector<1024x128xf32>
    %get3A_26 = arith.constant 0 : index
    %get3A_27 = arith.constant 0 : index
    %get3A_28 = vector.load %arg2[%get3A_26, %get3A_27] : memref<1024x128xf32, #tpu.memory_space<vmem>>, vector<1024x128xf32>
    %broadcast_in_dim3A_29 = vector.shape_cast %eq3A_10 : vector<1024x1xi1> to vector<1024x1xi1>
    %broadcast_in_dim3A_30 = vector.broadcast %broadcast_in_dim3A_29 : vector<1024x1xi1> to vector<1024x128xi1>
    %select_n3A_31 = arith.select %broadcast_in_dim3A_30, %get3A_28, %dot_general3A_19 : vector<1024x128xi1>, vector<1024x128xf32>
    %swap3A = arith.constant 0 : index
    %swap3A_32 = arith.constant 0 : index
    %swap3A_33 = vector.load %arg4[%swap3A, %swap3A_32] : memref<1024x128xf32, #tpu.memory_space<vmem>>, vector<1024x128xf32>
    tpu.vector_store %arg4[%swap3A, %swap3A_32], %select_n3A_31 {strides = array<i32>} : memref<1024x128xf32, #tpu.memory_space<vmem>>, vector<1024x128xf32>,
    %get3A_34 = arith.constant 0 : index
    %get3A_35 = arith.constant 0 : index
    %get3A_36 = vector.load %arg3[%get3A_34, %get3A_35] : memref<1024x128xf32, #tpu.memory_space<vmem>>, vector<1024x128xf32>
    %broadcast_in_dim3A_37 = vector.shape_cast %eq3A_10 : vector<1024x1xi1> to vector<1024x1xi1>
    %broadcast_in_dim3A_38 = vector.broadcast %broadcast_in_dim3A_37 : vector<1024x1xi1> to vector<1024x128xi1>
    %select_n3A_39 = arith.select %broadcast_in_dim3A_38, %get3A_36, %dot_general3A_25 : vector<1024x128xi1>, vector<1024x128xf32>
    %swap3A_40 = arith.constant 0 : index
    %swap3A_41 = arith.constant 0 : index
    %swap3A_42 = vector.load %arg5[%swap3A_40, %swap3A_41] : memref<1024x128xf32, #tpu.memory_space<vmem>>, vector<1024x128xf32>
    tpu.vector_store %arg5[%swap3A_40, %swap3A_41], %select_n3A_39 {strides = array<i32>} : memref<1024x128xf32, #tpu.memory_space<vmem>>, vector<1024x128xf32>,
    return
  }
}

module attributes {stable_mosaic.version = 14 : i64} {
  func.func @_sims_body(%arg0: i32, %arg1: memref<1024x128xf32, #tpu.memory_space<vmem>>, %arg2: memref<4096x128xf32, #tpu.memory_space<vmem>>, %arg3: memref<1x4096xi32, #tpu.memory_space<vmem>>, %arg4: memref<1024x1xf32, #tpu.memory_space<vmem>>, %arg5: memref<4096x128xf32, #tpu.memory_space<vmem>>, %arg6: memref<1024x128xbf16, #tpu.memory_space<vmem>>, %arg7: memref<128x8xbf16, #tpu.memory_space<vmem>>, %arg8: memref<1024x4096xbf16, #tpu.memory_space<vmem>>) attributes {dimension_semantics = [#tpu.dimension_semantics<arbitrary>], iteration_bounds = array<i64: 25>, scalar_prefetch = 0 : i64, scratch_operands = 3 : i64, tpu.core_type = #tpu.core_type<tc>, window_params = [{pipeline_mode = #tpu.pipeline_mode<synchronous>, transform_indices = @transform_0, window_bounds = array<i64: 1024, 128>}, {transform_indices = @transform_1, window_bounds = array<i64: 4096, 128>}, {transform_indices = @transform_2, window_bounds = array<i64: 1, 4096>}, {pipeline_mode = #tpu.pipeline_mode<synchronous>, transform_indices = @transform_3, window_bounds = array<i64: 1024, 1>}, {transform_indices = @transform_4, window_bounds = array<i64: 4096, 128>}]} {
    %eq3A = arith.constant 0 : i32
    %eq3A_0 = arith.cmpi eq, %arg0, %eq3A : i32
    %convert_element_type3A = arith.extui %eq3A_0 : i1 to i32
    %cond3A = arith.constant 0 : i32
    %cond3A_1 = arith.cmpi ne, %convert_element_type3A, %cond3A : i32
    scf.if %cond3A_1 {
      %get3A_61 = arith.constant 0 : index
      %get3A_62 = arith.constant 0 : index
      %get3A_63 = vector.load %arg1[%get3A_61, %get3A_62] : memref<1024x128xf32, #tpu.memory_space<vmem>>, vector<1024x128xf32>
      %mul3A_64 = arith.mulf %get3A_63, %get3A_63 : vector<1024x128xf32>
      %reduce_sum3A = arith.constant dense<0.000000e+00> : vector<1024xf32>
      %reduce_sum3A_65 = vector.multi_reduction <add>, %mul3A_64, %reduce_sum3A [1] : vector<1024x128xf32> to vector<1024xf32>
      %broadcast_in_dim3A_66 = vector.shape_cast %reduce_sum3A_65 : vector<1024xf32> to vector<1024x1xf32>
      %sqrt3A = math.sqrt %broadcast_in_dim3A_66 : vector<1024x1xf32>
      %add3A_67 = arith.constant 9.99999993E-9 : f32
      %add3A_68 = vector.broadcast %add3A_67 : f32 to vector<1024x1xf32>
      %add3A_69 = arith.addf %sqrt3A, %add3A_68 : vector<1024x1xf32>
      %div3A = vector.broadcast %add3A_69 : vector<1024x1xf32> to vector<1024x128xf32>
      %div3A_70 = arith.divf %get3A_63, %div3A : vector<1024x128xf32>
      %convert_element_type3A_71 = arith.truncf %div3A_70 : vector<1024x128xf32> to vector<1024x128xbf16>
      %swap3A_72 = arith.constant 0 : index
      %swap3A_73 = arith.constant 0 : index
      %swap3A_74 = vector.load %arg6[%swap3A_72, %swap3A_73] : memref<1024x128xbf16, #tpu.memory_space<vmem>>, vector<1024x128xbf16>
      tpu.vector_store %arg6[%swap3A_72, %swap3A_73], %convert_element_type3A_71 {strides = array<i32>} : memref<1024x128xbf16, #tpu.memory_space<vmem>>, vector<1024x128xbf16>,
      %broadcast_in_dim3A_75 = arith.constant 1.000000e+00 : bf16
      %broadcast_in_dim3A_76 = vector.broadcast %broadcast_in_dim3A_75 : bf16 to vector<128x8xbf16>
      %swap3A_77 = arith.constant 0 : index
      %swap3A_78 = arith.constant 0 : index
      %swap3A_79 = vector.load %arg7[%swap3A_77, %swap3A_78] : memref<128x8xbf16, #tpu.memory_space<vmem>>, vector<128x8xbf16>
      tpu.vector_store %arg7[%swap3A_77, %swap3A_78], %broadcast_in_dim3A_76 {strides = array<i32>} : memref<128x8xbf16, #tpu.memory_space<vmem>>, vector<128x8xbf16>,
      %broadcast_in_dim3A_80 = arith.constant -9.982440e+08 : bf16
      %broadcast_in_dim3A_81 = vector.broadcast %broadcast_in_dim3A_80 : bf16 to vector<1024x4096xbf16>
      %swap3A_82 = arith.constant 0 : index
      %swap3A_83 = arith.constant 0 : index
      %swap3A_84 = vector.load %arg8[%swap3A_82, %swap3A_83] : memref<1024x4096xbf16, #tpu.memory_space<vmem>>, vector<1024x4096xbf16>
      tpu.vector_store %arg8[%swap3A_82, %swap3A_83], %broadcast_in_dim3A_81 {strides = array<i32>} : memref<1024x4096xbf16, #tpu.memory_space<vmem>>, vector<1024x4096xbf16>,
    } else {
    }
    %get3A = arith.constant 0 : index
    %get3A_2 = arith.constant 0 : index
    %get3A_3 = vector.load %arg2[%get3A, %get3A_2] : memref<4096x128xf32, #tpu.memory_space<vmem>>, vector<4096x128xf32>
    %swap3A = arith.constant 0 : index
    %swap3A_4 = arith.constant 0 : index
    %swap3A_5 = vector.load %arg5[%swap3A, %swap3A_4] : memref<4096x128xf32, #tpu.memory_space<vmem>>, vector<4096x128xf32>
    tpu.vector_store %arg5[%swap3A, %swap3A_4], %get3A_3 {strides = array<i32>} : memref<4096x128xf32, #tpu.memory_space<vmem>>, vector<4096x128xf32>,
    %iota3A = tpu.iota {dimensions = array<i32: 0>} : vector<4096x1xi32>
    %mul3A = arith.constant 4096 : i32
    %mul3A_6 = arith.muli %arg0, %mul3A : i32
    %add3A = vector.broadcast %mul3A_6 : i32 to vector<4096x1xi32>
    %add3A_7 = arith.addi %iota3A, %add3A : vector<4096x1xi32>
    %lt3A = arith.constant 100000 : i32
    %lt3A_8 = vector.broadcast %lt3A : i32 to vector<4096x1xi32>
    %lt3A_9 = arith.cmpi slt, %add3A_7, %lt3A_8 : vector<4096x1xi32>
    %mul3A_10 = arith.mulf %get3A_3, %get3A_3 : vector<4096x128xf32>
    %convert_element_type3A_11 = arith.truncf %mul3A_10 : vector<4096x128xf32> to vector<4096x128xbf16>
    %get3A_12 = arith.constant 0 : index
    %get3A_13 = arith.constant 0 : index
    %get3A_14 = vector.load %arg7[%get3A_12, %get3A_13] : memref<128x8xbf16, #tpu.memory_space<vmem>>, vector<128x8xbf16>
    %dot_general3A = arith.constant dense<0.000000e+00> : vector<4096x8xf32>
    %dot_general3A_15 = tpu.matmul %convert_element_type3A_11, %get3A_14, %dot_general3A {dimension_numbers = #tpu.dot_dimension_numbers<[1], [0], [0], [1], [0, 0, 1, 1], [], []>, transpose_lhs_hint = false} : vector<4096x128xbf16>, vector<128x8xbf16>, vector<4096x8xf32> -> vector<4096x8xf32>
    %slice3A = vector.extract_strided_slice %dot_general3A_15 {offsets = [0, 0], sizes = [4096, 1], strides = [1, 1]} : vector<4096x8xf32> to vector<4096x1xf32>
    %add3A_16 = arith.constant 1.000000e-16 : f32
    %add3A_17 = vector.broadcast %add3A_16 : f32 to vector<4096x1xf32>
    %add3A_18 = arith.addf %slice3A, %add3A_17 : vector<4096x1xf32>
    %rsqrt3A = math.rsqrt %add3A_18 : vector<4096x1xf32>
    %mul3A_19 = vector.broadcast %rsqrt3A : vector<4096x1xf32> to vector<4096x128xf32>
    %mul3A_20 = arith.mulf %get3A_3, %mul3A_19 : vector<4096x128xf32>
    %jit3A = arith.constant 0.000000e+00 : f32
    %broadcast_in_dim3A = vector.shape_cast %lt3A_9 : vector<4096x1xi1> to vector<4096x1xi1>
    %broadcast_in_dim3A_21 = vector.broadcast %broadcast_in_dim3A : vector<4096x1xi1> to vector<4096x128xi1>
    %broadcast_in_dim3A_22 = vector.broadcast %jit3A : f32 to vector<4096x128xf32>
    %select_n3A = arith.select %broadcast_in_dim3A_21, %mul3A_20, %broadcast_in_dim3A_22 : vector<4096x128xi1>, vector<4096x128xf32>
    %convert_element_type3A_23 = arith.truncf %select_n3A : vector<4096x128xf32> to vector<4096x128xbf16>
    %get3A_24 = arith.constant 0 : index
    %get3A_25 = arith.constant 0 : index
    %get3A_26 = vector.load %arg6[%get3A_24, %get3A_25] : memref<1024x128xbf16, #tpu.memory_space<vmem>>, vector<1024x128xbf16>
    %dot_general3A_27 = arith.constant dense<0.000000e+00> : vector<1024x4096xf32>
    %dot_general3A_28 = tpu.matmul %get3A_26, %convert_element_type3A_23, %dot_general3A_27 {dimension_numbers = #tpu.dot_dimension_numbers<[1], [1], [0], [0], [0, 0, 1, 0], [], []>, transpose_lhs_hint = false} : vector<1024x128xbf16>, vector<4096x128xbf16>, vector<1024x4096xf32> -> vector<1024x4096xf32>
    %iota3A_29 = tpu.iota {dimensions = array<i32: 1>} : vector<1x4096xi32>
    %mul3A_30 = arith.constant 4096 : i32
    %mul3A_31 = arith.muli %arg0, %mul3A_30 : i32
    %add3A_32 = vector.broadcast %mul3A_31 : i32 to vector<1x4096xi32>
    %add3A_33 = arith.addi %iota3A_29, %add3A_32 : vector<1x4096xi32>
    %lt3A_34 = arith.constant 100000 : i32
    %lt3A_35 = vector.broadcast %lt3A_34 : i32 to vector<1x4096xi32>
    %lt3A_36 = arith.cmpi slt, %add3A_33, %lt3A_35 : vector<1x4096xi32>
    %get3A_37 = arith.constant 0 : index
    %get3A_38 = arith.constant 0 : index
    %get3A_39 = vector.load %arg3[%get3A_37, %get3A_38] : memref<1x4096xi32, #tpu.memory_space<vmem>>, vector<1x4096xi32>
    %gt3A = arith.constant 0 : i32
    %gt3A_40 = vector.broadcast %gt3A : i32 to vector<1x4096xi32>
    %gt3A_41 = arith.cmpi sgt, %get3A_39, %gt3A_40 : vector<1x4096xi32>
    %and3A = arith.andi %lt3A_36, %gt3A_41 : vector<1x4096xi1>
    %jit3A_42 = arith.constant 0.000000e+00 : f32
    %jit3A_43 = arith.constant -1.000000e+09 : f32
    %broadcast_in_dim3A_44 = vector.broadcast %jit3A_42 : f32 to vector<1x4096xf32>
    %broadcast_in_dim3A_45 = vector.broadcast %jit3A_43 : f32 to vector<1x4096xf32>
    %select_n3A_46 = arith.select %and3A, %broadcast_in_dim3A_44, %broadcast_in_dim3A_45 : vector<1x4096xi1>, vector<1x4096xf32>
    %get3A_47 = arith.constant 0 : index
    %get3A_48 = arith.constant 0 : index
    %get3A_49 = vector.load %arg8[%get3A_47, %get3A_48] : memref<1024x4096xbf16, #tpu.memory_space<vmem>>, vector<1024x4096xbf16>
    %add3A_50 = vector.broadcast %select_n3A_46 : vector<1x4096xf32> to vector<1024x4096xf32>
    %add3A_51 = arith.addf %dot_general3A_28, %add3A_50 : vector<1024x4096xf32>
    %convert_element_type3A_52 = arith.truncf %add3A_51 : vector<1024x4096xf32> to vector<1024x4096xbf16>
    %max3A = arith.maximumf %get3A_49, %convert_element_type3A_52 : vector<1024x4096xbf16>
    %swap3A_53 = arith.constant 0 : index
    %swap3A_54 = arith.constant 0 : index
    %swap3A_55 = vector.load %arg8[%swap3A_53, %swap3A_54] : memref<1024x4096xbf16, #tpu.memory_space<vmem>>, vector<1024x4096xbf16>
    tpu.vector_store %arg8[%swap3A_53, %swap3A_54], %max3A {strides = array<i32>} : memref<1024x4096xbf16, #tpu.memory_space<vmem>>, vector<1024x4096xbf16>,
    %eq3A_56 = arith.constant 24 : i32
    %eq3A_57 = arith.cmpi eq, %arg0, %eq3A_56 : i32
    %convert_element_type3A_58 = arith.extui %eq3A_57 : i1 to i32
    %cond3A_59 = arith.constant 0 : i32
    %cond3A_60 = arith.cmpi ne, %convert_element_type3A_58, %cond3A_59 : i32
    scf.if %cond3A_60 {
      %get3A_61 = arith.constant 0 : index
      %get3A_62 = arith.constant 0 : index
      %get3A_63 = vector.load %arg8[%get3A_61, %get3A_62] : memref<1024x4096xbf16, #tpu.memory_space<vmem>>, vector<1024x4096xbf16>
      %reduce_max3A = arith.constant dense<0xFF80> : vector<1024xbf16>
      %reduce_max3A_64 = vector.multi_reduction <maximumf>, %get3A_63, %reduce_max3A [1] : vector<1024x4096xbf16> to vector<1024xbf16>
      %broadcast_in_dim3A_65 = vector.shape_cast %reduce_max3A_64 : vector<1024xbf16> to vector<1024x1xbf16>
      %convert_element_type3A_66 = arith.extf %broadcast_in_dim3A_65 : vector<1024x1xbf16> to vector<1024x1xf32>
      %swap3A_67 = arith.constant 0 : index
      %swap3A_68 = arith.constant 0 : index
      %swap3A_69 = vector.load %arg4[%swap3A_67, %swap3A_68] : memref<1024x1xf32, #tpu.memory_space<vmem>>, vector<1024x1xf32>
      tpu.vector_store %arg4[%swap3A_67, %swap3A_68], %convert_element_type3A_66 {strides = array<i32>} : memref<1024x1xf32, #tpu.memory_space<vmem>>, vector<1024x1xf32>,
    } else {
    }
    return
  }
  func.func @transform_0(%arg0: i32) -> (i32, i32) {
    %c0_i32 = arith.constant 0 : i32
    %c0_i32_0 = arith.constant 0 : i32
    %c0_i32_1 = arith.constant 0 : i32
    return %c0_i32, %c0_i32_0 : i32, i32
  }
  func.func @transform_1(%arg0: i32) -> (i32, i32) {
    %c0_i32 = arith.constant 0 : i32
    %c0_i32_0 = arith.constant 0 : i32
    return %arg0, %c0_i32 : i32, i32
  }
  func.func @transform_2(%arg0: i32) -> (i32, i32) {
    %c0_i32 = arith.constant 0 : i32
    %c0_i32_0 = arith.constant 0 : i32
    return %c0_i32, %arg0 : i32, i32
  }
  func.func @transform_3(%arg0: i32) -> (i32, i32) {
    %c0_i32 = arith.constant 0 : i32
    %c0_i32_0 = arith.constant 0 : i32
    %c0_i32_1 = arith.constant 0 : i32
    return %c0_i32, %c0_i32_0 : i32, i32
  }
  func.func @transform_4(%arg0: i32) -> (i32, i32) {
    %c0_i32 = arith.constant 0 : i32
    %c0_i32_0 = arith.constant 0 : i32
    return %arg0, %c0_i32 : i32, i32
  }
}

</mosaic_0001>

<sc_bundles>
// kernel: kernel.6.cloned.1.call-start
scs
__scs_entry_jumppad:
0x0: {  	(pc) =	sbr.rel $0x88, $3  }
0x1: {  	(tag) =	ssettag $0x0;
	lr =	simm.s32 $0x1  }
0x2: {  	[smem:$0x3F9B] =	sst lr;
	_ =	strace $0xD0000000  }
0x3: {  	_ = 	snop  }
0x4: {  	_ = 	snop  }
0x5: {  	_ = 	snop  }
0x6: {  	_ = 	snop  }
0x7: {  	_ = 	snop  }
__scs_overlays_trampoline_lowered:
0x8: {  	[smem:$0x3FAA] =	sst s0  }
0x9: {  	[smem:$0x3FAB] =	sst s1  }
0xa: {  	[smem:$0x3FAC] =	sst s2  }
0xb: {  	[smem:$0x3FAD] =	sst s3  }
0xc: {  	[smem:$0x3FAE] =	sst s4  }
0xd: {  	[smem:$0x3FAF] =	sst s5  }
0xe: {  	[smem:$0x3FB0] =	sst s6  }
0xf: {  	[smem:$0x3FB1] =	sst s7  }
0x10: {  	[smem:$0x3FB2] =	sst s8  }
0x11: {  	[smem:$0x3FB3] =	sst s9;
	s0 =	simm.s32 @!p0 $0x0  }
0x12: {  	s1 =	sld [smem:$0x3F99];
	s0 =	simm.s32 @p0 $0x1  }
0x13: {  	[smem:$0x3FB4] =	sst s0;
	s0 =	simm.s32 @!p1 $0x0  }
0x14: {  	s2 =	sld [smem:$0x3F98];
	s0 =	simm.s32 @p1 $0x1  }
0x15: {  	[smem:$0x3FB5] =	sst s0;
	s0 =	simm.s32 @!p2 $0x0  }
0x16: {  	s3 =	sld [smem:$0x3FDB];
	s0 =	simm.s32 @p2 $0x1  }
0x17: {  	s4 =	simm.s32 $0x1BF5;
	[smem:$0x3FB7] =	sst s0  }
0x18: {  	s0 =	sld [smem:$0x3F9A];
	_ =	swait.ge [sflag:s4], $0x0  }
0x19: {  	s7 =	sld [smem:$0x3F9B]  }
0x1a: {  	s8 =	sadd.s32 $0xFFFFE003, lr  }
0x1b: {  	s9 =	sadd.s32 $0xFFFFFEF7, lr;
	s5 =	simm.s32 $0xFFFFFFFF;
	p2 =	slt.u32 s8, $0xFFFFF086  }
0x1c: {  	p1 =	slt.u32 s9, $0xF7A;
	s5 =	simm.s32 @!p2 $0x0  }
0x1d: {  	s5 =	simm.s32 @p1 $0x1;
	p0 =	seq.s32 s7, s2  }
0x1e: {  	s7 =	smul.u32 @!p0 $0xF7A, s2;
	p2 =	seq.s32 @!p0 s5, $0x0  }
0x1f: {  	s9 =	smul.u32 $0xF7A, s1;
	s8 =	simm.s32 @!p0 $0x1BF5;
	p2 =	por !p2, p0  }
0x20: {  	[sflag:s8] =	ssyncset.s32 @!p0 $0xFFFFF086;
	s6 =	sadd.s32 @!p0 s3, s7;
	s7 =	simm.s32 @!p0 $0x108  }
0x21: {  	s3 =	sadd.s32 s3, s9;
	s6 =	sadd.s32 @!p0 $0x88, s6;
	s7 =	simm.s32 @p2 $0x1082  }
0x22: {  	[simem:s7], [sflag:s8] =	dma.local @!p0 [hbm:s6], $0xF7A  }
0x23: {  	s9 =	sor.u32 $0xD0000000, s2;
	s6 =	simm.s32 $0x108;
	_ =	swait.ge @!p0 [sflag:s8], $0x0  }
0x24: {  	s3 =	sadd.s32 $0x88, s3;
	s6 =	simm.s32 @!p1 $0x1082;
	[sflag:s4] =	ssyncset.s32 $0xFFFFF086  }
0x25: {  	[simem:s6], [sflag:s4] =	dma.local [hbm:s3], $0xF7A  }
0x26: {  	[smem:$0x3F9B] =	sst s1;
	(tag) =	ssettag s2;
	_ =	strace s9  }
0x27: {  	s1 =	sld [smem:$0x3FAB]  }
0x28: {  	s2 =	sld [smem:$0x3FAC]  }
0x29: {  	s4 =	sld [smem:$0x3FAE]  }
0x2a: {  	p0 =	seq.s32 s5, $0x0;
	s5 =	sld [smem:$0x3FAF]  }
0x2b: {  	s6 =	sld [smem:$0x3FB0]  }
0x2c: {  	s7 =	sld [smem:$0x3FB1]  }
0x2d: {  	s3 =	simm.s32 $0x108;
	s8 =	sld [smem:$0x3FB2]  }
0x2e: {  	s3 =	simm.s32 @!p0 $0x1082;
	s9 =	sld [smem:$0x3FB3]  }
0x2f: {  	lr =	sadd.s32 s0, s3;
	s0 =	sld [smem:$0x3FAA]  }
0x30: {  	s3 =	sld [smem:$0x3FAD]  }
0x31: {  	[smem:$0x3FB6] =	sst s10  }
0x32: {  	s10 =	sld [smem:$0x3FB4];
	_ =	sdelay $0x3  }
0x33: {  	p0 =	seq.s32 s10, $0x1;
	s10 =	sld [smem:$0x3FB6];
	_ =	sdelay $0x3  }
0x34: {  	[smem:$0x3FB6] =	sst s10  }
0x35: {  	s10 =	sld [smem:$0x3FB5];
	_ =	sdelay $0x3  }
0x36: {  	p1 =	seq.s32 s10, $0x1;
	s10 =	sld [smem:$0x3FB6];
	_ =	sdelay $0x3  }
0x37: {  	[smem:$0x3FB6] =	sst s10  }
0x38: {  	s10 =	sld [smem:$0x3FB7]  }
0x39: {  	_ = 	snop;
	(pc) =	sbr.ind lr, $3  }
0x3a: {  	_ = 	snop  }
0x3b: {  	_ = 	snop  }
0x3c: {  	p2 =	seq.s32 s10, $0x1;
	s10 =	sld [smem:$0x3FB6]  }
0x3d: {  	_ =	shalt  }
0x3e: {  	_ =	shalt  }
0x3f: {  	_ =	shalt  }
0x40: {  	_ =	shalt  }
0x41: {  	_ =	shalt  }
0x42: {  	_ =	shalt  }
0x43: {  	_ =	shalt  }
0x44: {  	_ =	shalt  }
0x45: {  	_ =	shalt  }
0x46: {  	_ =	shalt  }
0x47: {  	_ =	shalt  }
0x48: {  	_ =	shalt  }
0x49: {  	_ =	shalt  }
0x4a: {  	_ =	shalt  }
0x4b: {  	_ =	shalt  }
0x4c: {  	_ =	shalt  }
0x4d: {  	_ =	shalt  }
0x4e: {  	_ =	shalt  }
0x4f: {  	_ =	shalt  }
0x50: {  	_ =	shalt  }
0x51: {  	_ =	shalt  }
0x52: {  	_ =	shalt  }
0x53: {  	_ =	shalt  }
0x54: {  	_ =	shalt  }
0x55: {  	_ =	shalt  }
0x56: {  	_ =	shalt  }
0x57: {  	_ =	shalt  }
0x58: {  	_ =	shalt  }
0x59: {  	_ =	shalt  }
0x5a: {  	_ =	shalt  }
0x5b: {  	_ =	shalt  }
0x5c: {  	_ =	shalt  }
0x5d: {  	_ =	shalt  }
0x5e: {  	_ =	shalt  }
0x5f: {  	_ =	shalt  }
0x60: {  	_ =	shalt  }
0x61: {  	_ =	shalt  }
0x62: {  	_ =	shalt  }
0x63: {  	_ =	shalt  }
0x64: {  	_ =	shalt  }
0x65: {  	_ =	shalt  }
0x66: {  	_ =	shalt  }
0x67: {  	_ =	shalt  }
0x68: {  	_ =	shalt  }
0x69: {  	_ =	shalt  }
0x6a: {  	_ =	shalt  }
0x6b: {  	_ =	shalt  }
0x6c: {  	_ =	shalt  }
0x6d: {  	_ =	shalt  }
0x6e: {  	_ =	shalt  }
0x6f: {  	_ =	shalt  }
0x70: {  	_ =	shalt  }
0x71: {  	_ =	shalt  }
0x72: {  	_ =	shalt  }
0x73: {  	_ =	shalt  }
0x74: {  	_ =	shalt  }
0x75: {  	_ =	shalt  }
0x76: {  	_ =	shalt  }
0x77: {  	_ =	shalt  }
0x78: {  	_ =	shalt  }
0x79: {  	_ =	shalt  }
0x7a: {  	_ =	shalt  }
0x7b: {  	_ =	shalt  }
0x7c: {  	_ =	shalt  }
0x7d: {  	_ =	shalt  }
0x7e: {  	_ =	shalt  }
0x7f: {  	_ =	shalt  }
0x80: {  	_ =	shalt  }
0x81: {  	_ =	shalt  }
0x82: {  	_ =	shalt  }
0x83: {  	_ =	shalt  }
0x84: {  	_ =	shalt  }
0x85: {  	_ =	shalt  }
0x86: {  	_ =	shalt  }
0x87: {  	_ =	shalt  }
.Lfunc_end0:
.L_simem_size_0:
called_computation_lowered:
.L_overlay_start_0:
0x88: {  	s2 =	sld [smem:$0x3FD9]  }
0x89: {  	s3 =	sld [smem:$0x3FFE];
	_ =	sdelay $0x1  }
0x8a: {  	s1 =	srdreg.scid  }
0x8b: {  	s0 =	sand.u32 $0x1, s1  }
0x8c: {  	s15 =	sshll.u32 s0, $0xA;
	s2 =	sadd.s32 s3, s2  }
0x8d: {  	s2 =	sadd.s32 s2, s15  }
0x8e: {  	[smem:$0x3FC2] =	sst s2  }
0x8f: {  	_ = 	snop  }
0x90: {  	s2 =	sld [smem:$0x3FD0];
	_ =	sdelay $0x2  }
0x91: {  	s4 =	simm.s32 $0xA;
	s5 =	simm.s32 $0x10;
	s16 =	sld [smem:$0x3FC6]  }
0x92: {  	[smem:s5], [sflag:s4] =	dma.local [hbm:s2], $0x1  }
0x93: {  	_ =	swait.eq [sflag:s4], $0x1  }
0x94: {  	[sflag:s4] =	ssyncset.done $0x0  }
0x95: {  	[sflag:s4] =	ssyncadd.s32 $0xFFFFFFFF  }
0x96: {  	s17 =	sld [smem:$0x10];
	(tm) =	ssettm $0x1  }
0x97: {  	s18 =	sld [smem:$0x3FFB];
	_ =	sdelay $0x3  }
0x98: {  	_ =	strace s18  }
0x99: {  	s4 =	sld [smem:$0x3FFC];
	_ =	sdelay $0x3  }
0x9a: {  	_ =	strace s4  }
0x9b: {  	s4 =	sld [smem:$0x3FFD];
	_ =	sdelay $0x3  }
0x9c: {  	_ =	strace s4  }
0x9d: {  	_ =	strace $0x8FFFFFFF  }
0x9e: {  	s19 =	sld [smem:$0x3FDB];
	_ =	sdelay $0x1  }
0x9f: {  	s20 =	simm.s32 $_scs_section_size  }
0xa0: {  	s6 =	simm.s32 $_size__tile_overlayer_lowered;
	s7 =	simm.s32 $_tile_overlayer_lowered  }
0xa1: {  	s23 =	simm.s32 $0x1BFF;
	s22 =	sshll.u32 s7, $0x1;
	s4 =	sadd.s32 s20, s19  }
0xa2: {  	s8 =	simm.s32 $0x0;
	s21 =	sshll.u32 s6, $0x1;
	s6 =	sadd.s32 s22, s4  }
0xa3: {  	[timem:s8], [sflag:s23] =	dma.local [hbm:s6], s21  }
0xa4: {  	_ =	swait.ge [sflag:s23], s21  }
0xa5: {  	s5 =	ssub.s32 $0x0, s21;
	[sflag:s23] =	ssyncset.done $0x0  }
0xa6: {  	[sflag:s23] =	ssyncadd.s32 s5;
	_ =	sdelay $0x1  }
0xa7: {  	s24 =	simm.s32 $0x1B8B  }
0xa8: {  	_ =	swait.ge [sflag:s24], $0x1  }
0xa9: {  	[sflag:s24] =	ssyncset.done $0x0  }
0xaa: {  	s25 =	simm.s32 $0x1B8E;
	[sflag:s24] =	ssyncadd.s32 $0xFFFFFFFF  }
0xab: {  	s26 =	simm.s32 $execute0_lowered;
	[smem:$0x3FD2] =	sst s25  }
0xac: {  	s5 =	sshll.u32 s26, $0x1;
	_ =	strace $0x80000046;
	[dreg:$0x1] =	wrdreg $0xFFFFFFFF  }
0xad: {  	s28 =	simm.s32 $_size_execute0_lowered;
	s4 =	sadd.s32 s4, s5;
	[dreg:$0x0] =	wrdreg $0x0  }
0xae: {  	s5 =	sshll.u32 s28, $0x1;
	[dreg:$0x2] =	wrdreg s4  }
0xaf: {  	[dreg:$0x3] =	wrdreg s5  }
0xb0: {  	[dreg:$0x4] =	wrdreg $0xC0  }
0xb1: {  	_ =	task [dreg:s8], $0x5FFFF  }
0xb2: {  	[dreg:$0x1] =	wrdreg $0xFFFFFFFF  }
0xb3: {  	[dreg:$0x0] =	wrdreg $0x60  }
0xb4: {  	[dreg:$0x2] =	wrdreg s16  }
0xb5: {  	[dreg:$0x3] =	wrdreg s17  }
0xb6: {  	[dreg:$0x4] =	wrdreg $0x9  }
0xb7: {  	_ =	task.clear_ibuf [dreg:s8], $0x5FFFF;
	_ =	strace $0x90000046  }
0xb8: {  	s29 =	simm.s32 $0x9;
	_ =	strace $0x80000048  }
0xb9: {  	_ =	swait.ge [sflag:s29], $0x1  }
0xba: {  	[sflag:s29] =	ssyncadd.s32 $0xFFFFFFFF  }
0xbb: {  	_ =	strace $0x90000048  }
0xbc: {  	_ =	sfence  }
0xbd: {  	s30 =	sld [smem:$0x0];
	_ =	sdelay $0x2  }
0xbe: {  	s31 =	sshll.u32 s1, $0xD;
	s1 =	sshrl.u32 s1, $0x2  }
0xbf: {  	s3 =	sand.u32 $0x4000, s31;
	s1 =	sadd.s32 s1, s30  }
0xc0: {  	s0 =	sor.u32 s3, s0;
	s1 =	sshll.u32 s1, $0x11  }
0xc1: {  	s0 =	sor.u32 s1, s0  }
0xc2: {  	s0 =	sadd.s32 $0x8F2B, s0  }
0xc3: {  	[sflag:s0] =	ssyncadd.remote.s32 $0x1  }
0xc4: {  	_ =	sfence.sel $0xFFFF  }
0xc5: {  	[dreg:$0x0] =	wrdreg $0xFFFFFFFF;
	(pc) =	sbr.abs _section_cstart, $3  }
0xc6: {  	[dreg:$0x1] =	wrdreg $0xFFFFFFFF  }
0xc7: {  	_ =	task.clear_ibuf [dreg:s8], $0x2FFFF;
	_ =	strace $0x9FFFFFFF  }
0xc8: {  	(tm) =	ssettm $0x7FFFFFFF  }
0xc9: {  	_ =	shalt  }
tec
execute0_lowered:
.L_overlay_start_1:
0x0: {  	(tag) =	ssettag $0x1  }
0x1: {  	s0 =	srdreg.scid;
	s2 =	stileid.u32  }
0x2: {  	s1 =	sand.u32 $0x1, s0;
	s9 =	sshll.u32 s2, $0x1  }
0x3: {  	s0 =	sor.u32 s1, s9  }
0x4: {  	s30 =	rddreg [dreg:$0x0];
	s0 =	smul.u32 $0x61A80, s0  }
0x5: {  	s31 =	rddreg [dreg:$0x1];
	s2 =	simm.s32 $0x0  }
0x6: {  	[smem:$0x7FF] =	sst s2;
	s28 =	sshrl.u32 s0, $0x3  }
0x7: {  	_ =	strace $0x80000047;
	s4 =	sadd.s32 $0x61A8, s0;
	s3 =	sadd.s32 s30, s28  }
0x8: {  	s10 =	sadd.s32 s31, s28;
	s4 =	sshrl.u32 s4, $0x3;
	[dreg:$0x3] =	wrdreg s3  }
0x9: {  	[dreg:$0x4] =	wrdreg s10;
	s11 =	sadd.s32 s30, s4  }
0xa: {  	s13 =	sadd.s32 $0x186A, s28;
	s12 =	sadd.s32 s31, s4;
	[dreg:$0x5] =	wrdreg s11  }
0xb: {  	s5 =	sadd.s32 $0x124F8, s0;
	s14 =	sadd.s32 s30, s13;
	[dreg:$0x6] =	wrdreg s12  }
0xc: {  	s16 =	sshrl.u32 s5, $0x3;
	s15 =	sadd.s32 s31, s13;
	[dreg:$0x7] =	wrdreg s14  }
0xd: {  	s17 =	sadd.s32 s30, s16;
	[dreg:$0x8] =	wrdreg s15  }
0xe: {  	[dreg:$0x9] =	wrdreg s17  }
0xf: {  	s8 =	sadd.s32 $0x30D4, s28;
	s18 =	sadd.s32 s31, s16;
	s19 =	rddreg [dreg:$0x3]  }
0x10: {  	s20 =	sadd.s32 s30, s8;
	[dreg:$0xa] =	wrdreg s18  }
0x11: {  	s3 =	simm.s32 $0x1;
	[dreg:$0xb] =	wrdreg s20  }
0x12: {  	[tilespmem:s2], [sflag:$0x1] =	stream.linear.gather [hbm4b:s19+s2], $0x61A8, $0x38;
	[tilespmem:$0xC400] =	vst v63  }
0x13: {  	_ =	swait.ge [sflag:s3], $0x61A8  }
0x14: {  	[sflag:s3] =	ssyncset.done $0x0  }
0x15: {  	s21 =	rddreg [dreg:$0x4];
	[sflag:s3] =	ssyncadd.s32 $0xFFFF9E58  }
0x16: {  	[hbm4b:s21+s2] =	stream.linear.scatter [tilespmem:s2], [sflag:$0x3], $0x61A8, $0x38;
	[tilespmem:$0xC400] =	vst v63  }
0x17: {  	s5 =	simm.s32 $0x2;
	s4 =	simm.s32 $0x6200;
	s6 =	rddreg [dreg:$0x5]  }
0x18: {  	[tilespmem:s4], [sflag:$0x2] =	stream.linear.gather [hbm4b:s6+s2], $0x61A8, $0x38;
	[tilespmem:$0xC400] =	vst v63  }
0x19: {  	_ =	swait.ge [sflag:s5], $0x61A8  }
0x1a: {  	[sflag:s5] =	ssyncset.done $0x0  }
0x1b: {  	s6 =	simm.s32 $0x3;
	s7 =	rddreg [dreg:$0x6];
	[sflag:s5] =	ssyncadd.s32 $0xFFFF9E58  }
0x1c: {  	[hbm4b:s7+s2] =	stream.linear.scatter [tilespmem:s4], [sflag:$0x4], $0x61A8, $0x38;
	[tilespmem:$0xC400] =	vst v63  }
0x1d: {  	_ =	swait.ge [sflag:s6], $0x61A8  }
0x1e: {  	[sflag:s6] =	ssyncset.done $0x0  }
0x1f: {  	s22 =	rddreg [dreg:$0x7];
	[sflag:s6] =	ssyncadd.s32 $0xFFFF9E58  }
0x20: {  	[tilespmem:s2], [sflag:$0x1] =	stream.linear.gather [hbm4b:s22+s2], $0x61A8, $0x38;
	[tilespmem:$0xC400] =	vst v63  }
0x21: {  	_ =	swait.ge [sflag:s3], $0x61A8  }
0x22: {  	[sflag:s3] =	ssyncset.done $0x0  }
0x23: {  	s7 =	simm.s32 $0x4;
	s9 =	rddreg [dreg:$0x8];
	[sflag:s3] =	ssyncadd.s32 $0xFFFF9E58  }
0x24: {  	[hbm4b:s9+s2] =	stream.linear.scatter [tilespmem:s2], [sflag:$0x3], $0x61A8, $0x38;
	[tilespmem:$0xC400] =	vst v63  }
0x25: {  	_ =	swait.ge [sflag:s7], $0x61A8  }
0x26: {  	[sflag:s7] =	ssyncset.done $0x0  }
0x27: {  	s23 =	rddreg [dreg:$0x9];
	[sflag:s7] =	ssyncadd.s32 $0xFFFF9E58  }
0x28: {  	[tilespmem:s4], [sflag:$0x2] =	stream.linear.gather [hbm4b:s23+s2], $0x61A8, $0x38;
	[tilespmem:$0xC400] =	vst v63  }
0x29: {  	_ =	swait.ge [sflag:s5], $0x61A8  }
0x2a: {  	[sflag:s5] =	ssyncset.done $0x0  }
0x2b: {  	s24 =	rddreg [dreg:$0xa];
	[sflag:s5] =	ssyncadd.s32 $0xFFFF9E58  }
0x2c: {  	[hbm4b:s24+s2] =	stream.linear.scatter [tilespmem:s4], [sflag:$0x4], $0x61A8, $0x38;
	[tilespmem:$0xC400] =	vst v63  }
0x2d: {  	_ =	swait.ge [sflag:s6], $0x61A8  }
0x2e: {  	[sflag:s6] =	ssyncset.done $0x0  }
0x2f: {  	s25 =	rddreg [dreg:$0xb];
	[sflag:s6] =	ssyncadd.s32 $0xFFFF9E58  }
0x30: {  	[tilespmem:s2], [sflag:$0x1] =	stream.linear.gather [hbm4b:s25+s2], $0x61A8, $0x38;
	[tilespmem:$0xC400] =	vst v63  }
0x31: {  	_ =	swait.ge [sflag:s3], $0x61A8  }
0x32: {  	s8 =	sadd.s32 s31, s8;
	[sflag:s3] =	ssyncset.done $0x0  }
0x33: {  	[dreg:$0xc] =	wrdreg s8;
	[sflag:s3] =	ssyncadd.s32 $0xFFFF9E58  }
0x34: {  	[hbm4b:s8+s2] =	stream.linear.scatter [tilespmem:s2], [sflag:$0x3], $0x61A8, $0x38;
	[tilespmem:$0xC400] =	vst v63  }
0x35: {  	s26 =	sadd.s32 $0x1E848, s0;
	_ =	swait.ge [sflag:s7], $0x61A8  }
0x36: {  	s10 =	sshrl.u32 s26, $0x3;
	[sflag:s7] =	ssyncset.done $0x0  }
0x37: {  	s9 =	sadd.s32 s30, s10;
	[sflag:s7] =	ssyncadd.s32 $0xFFFF9E58  }
0x38: {  	[tilespmem:s4], [sflag:$0x2] =	stream.linear.gather [hbm4b:s9+s2], $0x61A8, $0x38;
	[tilespmem:$0xC400] =	vst v63  }
0x39: {  	_ =	swait.ge [sflag:s5], $0x61A8  }
0x3a: {  	[sflag:s5] =	ssyncset.done $0x0  }
0x3b: {  	s10 =	sadd.s32 s31, s10;
	[sflag:s5] =	ssyncadd.s32 $0xFFFF9E58  }
0x3c: {  	[hbm4b:s10+s2] =	stream.linear.scatter [tilespmem:s4], [sflag:$0x4], $0x61A8, $0x38;
	[tilespmem:$0xC400] =	vst v63  }
0x3d: {  	_ =	swait.ge [sflag:s6], $0x61A8  }
0x3e: {  	s12 =	sadd.s32 $0x493E, s28;
	[sflag:s6] =	ssyncset.done $0x0  }
0x3f: {  	s11 =	sadd.s32 s30, s12;
	[sflag:s6] =	ssyncadd.s32 $0xFFFF9E58  }
0x40: {  	[tilespmem:s2], [sflag:$0x1] =	stream.linear.gather [hbm4b:s11+s2], $0x61A8, $0x38;
	[tilespmem:$0xC400] =	vst v63  }
0x41: {  	_ =	swait.ge [sflag:s3], $0x61A8  }
0x42: {  	[sflag:s3] =	ssyncset.done $0x0  }
0x43: {  	s12 =	sadd.s32 s31, s12;
	[sflag:s3] =	ssyncadd.s32 $0xFFFF9E58  }
0x44: {  	[hbm4b:s12+s2] =	stream.linear.scatter [tilespmem:s2], [sflag:$0x3], $0x61A8, $0x38;
	[tilespmem:$0xC400] =	vst v63  }
0x45: {  	s13 =	sadd.s32 $0x2AB98, s0;
	_ =	swait.ge [sflag:s7], $0x61A8  }
0x46: {  	s14 =	sshrl.u32 s13, $0x3;
	[sflag:s7] =	ssyncset.done $0x0  }
0x47: {  	s13 =	sadd.s32 s30, s14;
	[sflag:s7] =	ssyncadd.s32 $0xFFFF9E58  }
0x48: {  	[tilespmem:s4], [sflag:$0x2] =	stream.linear.gather [hbm4b:s13+s2], $0x61A8, $0x38;
	[tilespmem:$0xC400] =	vst v63  }
0x49: {  	_ =	swait.ge [sflag:s5], $0x61A8  }
0x4a: {  	[sflag:s5] =	ssyncset.done $0x0  }
0x4b: {  	s14 =	sadd.s32 s31, s14;
	[sflag:s5] =	ssyncadd.s32 $0xFFFF9E58  }
0x4c: {  	[hbm4b:s14+s2] =	stream.linear.scatter [tilespmem:s4], [sflag:$0x4], $0x61A8, $0x38;
	[tilespmem:$0xC400] =	vst v63  }
0x4d: {  	_ =	swait.ge [sflag:s6], $0x61A8  }
0x4e: {  	s16 =	sadd.s32 $0x61A8, s28;
	[sflag:s6] =	ssyncset.done $0x0  }
0x4f: {  	s15 =	sadd.s32 s30, s16;
	[sflag:s6] =	ssyncadd.s32 $0xFFFF9E58  }
0x50: {  	[tilespmem:s2], [sflag:$0x1] =	stream.linear.gather [hbm4b:s15+s2], $0x61A8, $0x38;
	[tilespmem:$0xC400] =	vst v63  }
0x51: {  	_ =	swait.ge [sflag:s3], $0x61A8  }
0x52: {  	[sflag:s3] =	ssyncset.done $0x0  }
0x53: {  	s16 =	sadd.s32 s31, s16;
	[sflag:s3] =	ssyncadd.s32 $0xFFFF9E58  }
0x54: {  	[hbm4b:s16+s2] =	stream.linear.scatter [tilespmem:s2], [sflag:$0x3], $0x61A8, $0x38;
	[tilespmem:$0xC400] =	vst v63  }
0x55: {  	s17 =	sadd.s32 $0x36EE8, s0;
	_ =	swait.ge [sflag:s7], $0x61A8  }
0x56: {  	s18 =	sshrl.u32 s17, $0x3;
	[sflag:s7] =	ssyncset.done $0x0  }
0x57: {  	s17 =	sadd.s32 s30, s18;
	[sflag:s7] =	ssyncadd.s32 $0xFFFF9E58  }
0x58: {  	[tilespmem:s4], [sflag:$0x2] =	stream.linear.gather [hbm4b:s17+s2], $0x61A8, $0x38;
	[tilespmem:$0xC400] =	vst v63  }
0x59: {  	_ =	swait.ge [sflag:s5], $0x61A8  }
0x5a: {  	[sflag:s5] =	ssyncset.done $0x0  }
0x5b: {  	s18 =	sadd.s32 s31, s18;
	[sflag:s5] =	ssyncadd.s32 $0xFFFF9E58  }
0x5c: {  	[hbm4b:s18+s2] =	stream.linear.scatter [tilespmem:s4], [sflag:$0x4], $0x61A8, $0x38;
	[tilespmem:$0xC400] =	vst v63  }
0x5d: {  	_ =	swait.ge [sflag:s6], $0x61A8  }
0x5e: {  	s20 =	sadd.s32 $0x7A12, s28;
	[sflag:s6] =	ssyncset.done $0x0  }
0x5f: {  	s19 =	sadd.s32 s30, s20;
	[sflag:s6] =	ssyncadd.s32 $0xFFFF9E58  }
0x60: {  	[tilespmem:s2], [sflag:$0x1] =	stream.linear.gather [hbm4b:s19+s2], $0x61A8, $0x38;
	[tilespmem:$0xC400] =	vst v63  }
0x61: {  	_ =	swait.ge [sflag:s3], $0x61A8  }
0x62: {  	[sflag:s3] =	ssyncset.done $0x0  }
0x63: {  	s20 =	sadd.s32 s31, s20;
	[sflag:s3] =	ssyncadd.s32 $0xFFFF9E58  }
0x64: {  	[hbm4b:s20+s2] =	stream.linear.scatter [tilespmem:s2], [sflag:$0x3], $0x61A8, $0x38;
	[tilespmem:$0xC400] =	vst v63  }
0x65: {  	s21 =	sadd.s32 $0x43238, s0;
	_ =	swait.ge [sflag:s7], $0x61A8  }
0x66: {  	s22 =	sshrl.u32 s21, $0x3;
	[sflag:s7] =	ssyncset.done $0x0  }
0x67: {  	s21 =	sadd.s32 s30, s22;
	[sflag:s7] =	ssyncadd.s32 $0xFFFF9E58  }
0x68: {  	[tilespmem:s4], [sflag:$0x2] =	stream.linear.gather [hbm4b:s21+s2], $0x61A8, $0x38;
	[tilespmem:$0xC400] =	vst v63  }
0x69: {  	_ =	swait.ge [sflag:s5], $0x61A8  }
0x6a: {  	[sflag:s5] =	ssyncset.done $0x0  }
0x6b: {  	s22 =	sadd.s32 s31, s22;
	[sflag:s5] =	ssyncadd.s32 $0xFFFF9E58  }
0x6c: {  	[hbm4b:s22+s2] =	stream.linear.scatter [tilespmem:s4], [sflag:$0x4], $0x61A8, $0x38;
	[tilespmem:$0xC400] =	vst v63  }
0x6d: {  	_ =	swait.ge [sflag:s6], $0x61A8  }
0x6e: {  	s24 =	sadd.s32 $0x927C, s28;
	[sflag:s6] =	ssyncset.done $0x0  }
0x6f: {  	s23 =	sadd.s32 s30, s24;
	[sflag:s6] =	ssyncadd.s32 $0xFFFF9E58  }
0x70: {  	[tilespmem:s2], [sflag:$0x1] =	stream.linear.gather [hbm4b:s23+s2], $0x61A8, $0x38;
	[tilespmem:$0xC400] =	vst v63  }
0x71: {  	_ =	swait.ge [sflag:s3], $0x61A8  }
0x72: {  	[sflag:s3] =	ssyncset.done $0x0  }
0x73: {  	s24 =	sadd.s32 s31, s24;
	[sflag:s3] =	ssyncadd.s32 $0xFFFF9E58  }
0x74: {  	[hbm4b:s24+s2] =	stream.linear.scatter [tilespmem:s2], [sflag:$0x3], $0x61A8, $0x38;
	[tilespmem:$0xC400] =	vst v63  }
0x75: {  	s25 =	sadd.s32 $0x4F588, s0;
	_ =	swait.ge [sflag:s7], $0x61A8  }
0x76: {  	s26 =	sshrl.u32 s25, $0x3;
	[sflag:s7] =	ssyncset.done $0x0  }
0x77: {  	s25 =	sadd.s32 s30, s26;
	[sflag:s7] =	ssyncadd.s32 $0xFFFF9E58  }
0x78: {  	[tilespmem:s4], [sflag:$0x2] =	stream.linear.gather [hbm4b:s25+s2], $0x61A8, $0x38;
	[tilespmem:$0xC400] =	vst v63  }
0x79: {  	_ =	swait.ge [sflag:s5], $0x61A8  }
0x7a: {  	[sflag:s5] =	ssyncset.done $0x0  }
0x7b: {  	s26 =	sadd.s32 s31, s26;
	[sflag:s5] =	ssyncadd.s32 $0xFFFF9E58  }
0x7c: {  	[hbm4b:s26+s2] =	stream.linear.scatter [tilespmem:s4], [sflag:$0x4], $0x61A8, $0x38;
	[tilespmem:$0xC400] =	vst v63  }
0x7d: {  	_ =	swait.ge [sflag:s6], $0x61A8  }
0x7e: {  	s29 =	sadd.s32 $0xAAE6, s28;
	[sflag:s6] =	ssyncset.done $0x0  }
0x7f: {  	s28 =	sadd.s32 s30, s29;
	[sflag:s6] =	ssyncadd.s32 $0xFFFF9E58  }
0x80: {  	[tilespmem:s2], [sflag:$0x1] =	stream.linear.gather [hbm4b:s28+s2], $0x61A8, $0x38;
	[tilespmem:$0xC400] =	vst v63  }
0x81: {  	_ =	swait.ge [sflag:s3], $0x61A8  }
0x82: {  	[sflag:s3] =	ssyncset.done $0x0  }
0x83: {  	s29 =	sadd.s32 s31, s29;
	[sflag:s3] =	ssyncadd.s32 $0xFFFF9E58  }
0x84: {  	[hbm4b:s29+s2] =	stream.linear.scatter [tilespmem:s2], [sflag:$0x3], $0x61A8, $0x38;
	[tilespmem:$0xC400] =	vst v63  }
0x85: {  	s0 =	sadd.s32 $0x5B8D8, s0;
	_ =	swait.ge [sflag:s7], $0x61A8  }
0x86: {  	s0 =	sshrl.u32 s0, $0x3;
	s8 =	ssub.s32 $0x2, s1;
	[sflag:s7] =	ssyncset.done $0x0  }
0x87: {  	s30 =	sadd.s32 s30, s0;
	s1 =	sshrl.u32 s8, $0x1;
	[sflag:s7] =	ssyncadd.s32 $0xFFFF9E58  }
0x88: {  	[tilespmem:s4], [sflag:$0x2] =	stream.linear.gather [hbm4b:s30+s2], $0x61A8, $0x38;
	[tilespmem:$0xC400] =	vst v63  }
0x89: {  	s31 =	sadd.s32 s31, s0;
	s0 =	ssub.s32 s8, s1;
	_ =	swait.ge [sflag:s5], $0x61A8  }
0x8a: {  	s0 =	smax.u32 s0, $0x1;
	[sflag:s5] =	ssyncset.done $0x0  }
0x8b: {  	p0 =	sne.s32 s0, $0x1;
	[sflag:s5] =	ssyncadd.s32 $0xFFFF9E58  }
0x8c: {  	[hbm4b:s31+s2] =	stream.linear.scatter [tilespmem:s4], [sflag:$0x4], $0x61A8, $0x38;
	[tilespmem:$0xC400] =	vst v63  }
.Ltmp0:
0x8d: {  	_ =	swait.ge [sflag:s6], $0x61A8;
	(pc) =	sbr.rel @!p0 .LBB2_2-.Ltmp0, $4  }
0x8e: {  	[sflag:s6] =	ssyncset.done $0x0  }
0x8f: {  	[sflag:s6] =	ssyncadd.s32 $0xFFFF9E58  }
0x90: {  	_ =	swait.ge [sflag:s7], $0x61A8  }
0x91: {  	s1 =	sadd.s32 $0xFFFFFFFF, s0;
	[sflag:s7] =	ssyncset.done $0x0  }
.LBB2_1:
0x92: {  	s0 =	rddreg [dreg:$0x3];
	[sflag:s7] =	ssyncadd.s32 $0xFFFF9E58  }
0x93: {  	[tilespmem:s2], [sflag:$0x1] =	stream.linear.gather [hbm4b:s0+s2], $0x61A8, $0x38;
	[tilespmem:$0xC400] =	vst v63  }
0x94: {  	_ =	swait.ge [sflag:s3], $0x61A8  }
0x95: {  	[sflag:s3] =	ssyncset.done $0x0  }
0x96: {  	s0 =	rddreg [dreg:$0x4];
	[sflag:s3] =	ssyncadd.s32 $0xFFFF9E58  }
0x97: {  	[hbm4b:s0+s2] =	stream.linear.scatter [tilespmem:s2], [sflag:$0x3], $0x61A8, $0x38;
	[tilespmem:$0xC400] =	vst v63  }
0x98: {  	s8 =	rddreg [dreg:$0x5]  }
0x99: {  	[tilespmem:s4], [sflag:$0x2] =	stream.linear.gather [hbm4b:s8+s2], $0x61A8, $0x38;
	[tilespmem:$0xC400] =	vst v63  }
0x9a: {  	_ =	swait.ge [sflag:s5], $0x61A8  }
0x9b: {  	[sflag:s5] =	ssyncset.done $0x0  }
0x9c: {  	s8 =	rddreg [dreg:$0x6];
	[sflag:s5] =	ssyncadd.s32 $0xFFFF9E58  }
0x9d: {  	[hbm4b:s8+s2] =	stream.linear.scatter [tilespmem:s4], [sflag:$0x4], $0x61A8, $0x38;
	[tilespmem:$0xC400] =	vst v63  }
0x9e: {  	_ =	swait.ge [sflag:s6], $0x61A8  }
0x9f: {  	[sflag:s6] =	ssyncset.done $0x0  }
0xa0: {  	s8 =	rddreg [dreg:$0x7];
	[sflag:s6] =	ssyncadd.s32 $0xFFFF9E58  }
0xa1: {  	[tilespmem:s2], [sflag:$0x1] =	stream.linear.gather [hbm4b:s8+s2], $0x61A8, $0x38;
	[tilespmem:$0xC400] =	vst v63  }
0xa2: {  	_ =	swait.ge [sflag:s3], $0x61A8  }
0xa3: {  	[sflag:s3] =	ssyncset.done $0x0  }
0xa4: {  	s8 =	rddreg [dreg:$0x8];
	[sflag:s3] =	ssyncadd.s32 $0xFFFF9E58  }
0xa5: {  	[hbm4b:s8+s2] =	stream.linear.scatter [tilespmem:s2], [sflag:$0x3], $0x61A8, $0x38;
	[tilespmem:$0xC400] =	vst v63  }
0xa6: {  	_ =	swait.ge [sflag:s7], $0x61A8  }
0xa7: {  	[sflag:s7] =	ssyncset.done $0x0  }
0xa8: {  	s8 =	rddreg [dreg:$0x9];
	[sflag:s7] =	ssyncadd.s32 $0xFFFF9E58  }
0xa9: {  	[tilespmem:s4], [sflag:$0x2] =	stream.linear.gather [hbm4b:s8+s2], $0x61A8, $0x38;
	[tilespmem:$0xC400] =	vst v63  }
0xaa: {  	_ =	swait.ge [sflag:s5], $0x61A8  }
0xab: {  	[sflag:s5] =	ssyncset.done $0x0  }
0xac: {  	s8 =	rddreg [dreg:$0xa];
	[sflag:s5] =	ssyncadd.s32 $0xFFFF9E58  }
0xad: {  	[hbm4b:s8+s2] =	stream.linear.scatter [tilespmem:s4], [sflag:$0x4], $0x61A8, $0x38;
	[tilespmem:$0xC400] =	vst v63  }
0xae: {  	_ =	swait.ge [sflag:s6], $0x61A8  }
0xaf: {  	[sflag:s6] =	ssyncset.done $0x0  }
0xb0: {  	s8 =	rddreg [dreg:$0xb];
	[sflag:s6] =	ssyncadd.s32 $0xFFFF9E58  }
0xb1: {  	[tilespmem:s2], [sflag:$0x1] =	stream.linear.gather [hbm4b:s8+s2], $0x61A8, $0x38;
	[tilespmem:$0xC400] =	vst v63  }
0xb2: {  	_ =	swait.ge [sflag:s3], $0x61A8  }
0xb3: {  	[sflag:s3] =	ssyncset.done $0x0  }
0xb4: {  	s8 =	rddreg [dreg:$0xc];
	[sflag:s3] =	ssyncadd.s32 $0xFFFF9E58  }
0xb5: {  	[hbm4b:s8+s2] =	stream.linear.scatter [tilespmem:s2], [sflag:$0x3], $0x61A8, $0x38;
	[tilespmem:$0xC400] =	vst v63  }
0xb6: {  	_ =	swait.ge [sflag:s7], $0x61A8  }
0xb7: {  	[sflag:s7] =	ssyncset.done $0x0  }
0xb8: {  	[sflag:s7] =	ssyncadd.s32 $0xFFFF9E58  }
0xb9: {  	[tilespmem:s4], [sflag:$0x2] =	stream.linear.gather [hbm4b:s9+s2], $0x61A8, $0x38;
	[tilespmem:$0xC400] =	vst v63  }
0xba: {  	_ =	swait.ge [sflag:s5], $0x61A8  }
0xbb: {  	[sflag:s5] =	ssyncset.done $0x0  }
0xbc: {  	[sflag:s5] =	ssyncadd.s32 $0xFFFF9E58  }
0xbd: {  	[hbm4b:s10+s2] =	stream.linear.scatter [tilespmem:s4], [sflag:$0x4], $0x61A8, $0x38;
	[tilespmem:$0xC400] =	vst v63  }
0xbe: {  	_ =	swait.ge [sflag:s6], $0x61A8  }
0xbf: {  	[sflag:s6] =	ssyncset.done $0x0  }
0xc0: {  	[sflag:s6] =	ssyncadd.s32 $0xFFFF9E58  }
0xc1: {  	[tilespmem:s2], [sflag:$0x1] =	stream.linear.gather [hbm4b:s11+s2], $0x61A8, $0x38;
	[tilespmem:$0xC400] =	vst v63  }
0xc2: {  	_ =	swait.ge [sflag:s3], $0x61A8  }
0xc3: {  	[sflag:s3] =	ssyncset.done $0x0  }
0xc4: {  	[sflag:s3] =	ssyncadd.s32 $0xFFFF9E58  }
0xc5: {  	[hbm4b:s12+s2] =	stream.linear.scatter [tilespmem:s2], [sflag:$0x3], $0x61A8, $0x38;
	[tilespmem:$0xC400] =	vst v63  }
0xc6: {  	_ =	swait.ge [sflag:s7], $0x61A8  }
0xc7: {  	[sflag:s7] =	ssyncset.done $0x0  }
0xc8: {  	[sflag:s7] =	ssyncadd.s32 $0xFFFF9E58  }
0xc9: {  	[tilespmem:s4], [sflag:$0x2] =	stream.linear.gather [hbm4b:s13+s2], $0x61A8, $0x38;
	[tilespmem:$0xC400] =	vst v63  }
0xca: {  	_ =	swait.ge [sflag:s5], $0x61A8  }
0xcb: {  	[sflag:s5] =	ssyncset.done $0x0  }
0xcc: {  	[sflag:s5] =	ssyncadd.s32 $0xFFFF9E58  }
0xcd: {  	[hbm4b:s14+s2] =	stream.linear.scatter [tilespmem:s4], [sflag:$0x4], $0x61A8, $0x38;
	[tilespmem:$0xC400] =	vst v63  }
0xce: {  	_ =	swait.ge [sflag:s6], $0x61A8  }
0xcf: {  	[sflag:s6] =	ssyncset.done $0x0  }
0xd0: {  	[sflag:s6] =	ssyncadd.s32 $0xFFFF9E58  }
0xd1: {  	[tilespmem:s2], [sflag:$0x1] =	stream.linear.gather [hbm4b:s15+s2], $0x61A8, $0x38;
	[tilespmem:$0xC400] =	vst v63  }
0xd2: {  	_ =	swait.ge [sflag:s3], $0x61A8  }
0xd3: {  	[sflag:s3] =	ssyncset.done $0x0  }
0xd4: {  	[sflag:s3] =	ssyncadd.s32 $0xFFFF9E58  }
0xd5: {  	[hbm4b:s16+s2] =	stream.linear.scatter [tilespmem:s2], [sflag:$0x3], $0x61A8, $0x38;
	[tilespmem:$0xC400] =	vst v63  }
0xd6: {  	_ =	swait.ge [sflag:s7], $0x61A8  }
0xd7: {  	[sflag:s7] =	ssyncset.done $0x0  }
0xd8: {  	[sflag:s7] =	ssyncadd.s32 $0xFFFF9E58  }
0xd9: {  	[tilespmem:s4], [sflag:$0x2] =	stream.linear.gather [hbm4b:s17+s2], $0x61A8, $0x38;
	[tilespmem:$0xC400] =	vst v63  }
0xda: {  	_ =	swait.ge [sflag:s5], $0x61A8  }
0xdb: {  	[sflag:s5] =	ssyncset.done $0x0  }
0xdc: {  	[sflag:s5] =	ssyncadd.s32 $0xFFFF9E58  }
0xdd: {  	[hbm4b:s18+s2] =	stream.linear.scatter [tilespmem:s4], [sflag:$0x4], $0x61A8, $0x38;
	[tilespmem:$0xC400] =	vst v63  }
0xde: {  	_ =	swait.ge [sflag:s6], $0x61A8  }
0xdf: {  	[sflag:s6] =	ssyncset.done $0x0  }
0xe0: {  	[sflag:s6] =	ssyncadd.s32 $0xFFFF9E58  }
0xe1: {  	[tilespmem:s2], [sflag:$0x1] =	stream.linear.gather [hbm4b:s19+s2], $0x61A8, $0x38;
	[tilespmem:$0xC400] =	vst v63  }
0xe2: {  	_ =	swait.ge [sflag:s3], $0x61A8  }
0xe3: {  	[sflag:s3] =	ssyncset.done $0x0  }
0xe4: {  	[sflag:s3] =	ssyncadd.s32 $0xFFFF9E58  }
0xe5: {  	[hbm4b:s20+s2] =	stream.linear.scatter [tilespmem:s2], [sflag:$0x3], $0x61A8, $0x38;
	[tilespmem:$0xC400] =	vst v63  }
0xe6: {  	_ =	swait.ge [sflag:s7], $0x61A8  }
0xe7: {  	[sflag:s7] =	ssyncset.done $0x0  }
0xe8: {  	[sflag:s7] =	ssyncadd.s32 $0xFFFF9E58  }
0xe9: {  	[tilespmem:s4], [sflag:$0x2] =	stream.linear.gather [hbm4b:s21+s2], $0x61A8, $0x38;
	[tilespmem:$0xC400] =	vst v63  }
0xea: {  	_ =	swait.ge [sflag:s5], $0x61A8  }
0xeb: {  	[sflag:s5] =	ssyncset.done $0x0  }
0xec: {  	[sflag:s5] =	ssyncadd.s32 $0xFFFF9E58  }
0xed: {  	[hbm4b:s22+s2] =	stream.linear.scatter [tilespmem:s4], [sflag:$0x4], $0x61A8, $0x38;
	[tilespmem:$0xC400] =	vst v63  }
0xee: {  	_ =	swait.ge [sflag:s6], $0x61A8  }
0xef: {  	[sflag:s6] =	ssyncset.done $0x0  }
0xf0: {  	[sflag:s6] =	ssyncadd.s32 $0xFFFF9E58  }
0xf1: {  	[tilespmem:s2], [sflag:$0x1] =	stream.linear.gather [hbm4b:s23+s2], $0x61A8, $0x38;
	[tilespmem:$0xC400] =	vst v63  }
0xf2: {  	_ =	swait.ge [sflag:s3], $0x61A8  }
0xf3: {  	[sflag:s3] =	ssyncset.done $0x0  }
0xf4: {  	[sflag:s3] =	ssyncadd.s32 $0xFFFF9E58  }
0xf5: {  	[hbm4b:s24+s2] =	stream.linear.scatter [tilespmem:s2], [sflag:$0x3], $0x61A8, $0x38;
	[tilespmem:$0xC400] =	vst v63  }
0xf6: {  	_ =	swait.ge [sflag:s7], $0x61A8  }
0xf7: {  	[sflag:s7] =	ssyncset.done $0x0  }
0xf8: {  	[sflag:s7] =	ssyncadd.s32 $0xFFFF9E58  }
0xf9: {  	[tilespmem:s4], [sflag:$0x2] =	stream.linear.gather [hbm4b:s25+s2], $0x61A8, $0x38;
	[tilespmem:$0xC400] =	vst v63  }
0xfa: {  	_ =	swait.ge [sflag:s5], $0x61A8  }
0xfb: {  	[sflag:s5] =	ssyncset.done $0x0  }
0xfc: {  	[sflag:s5] =	ssyncadd.s32 $0xFFFF9E58  }
0xfd: {  	[hbm4b:s26+s2] =	stream.linear.scatter [tilespmem:s4], [sflag:$0x4], $0x61A8, $0x38;
	[tilespmem:$0xC400] =	vst v63  }
0xfe: {  	_ =	swait.ge [sflag:s6], $0x61A8  }
0xff: {  	[sflag:s6] =	ssyncset.done $0x0  }
0x100: {  	[sflag:s6] =	ssyncadd.s32 $0xFFFF9E58  }
0x101: {  	[tilespmem:s2], [sflag:$0x1] =	stream.linear.gather [hbm4b:s28+s2], $0x61A8, $0x38;
	[tilespmem:$0xC400] =	vst v63  }
0x102: {  	_ =	swait.ge [sflag:s3], $0x61A8  }
0x103: {  	[sflag:s3] =	ssyncset.done $0x0  }
0x104: {  	[sflag:s3] =	ssyncadd.s32 $0xFFFF9E58  }
0x105: {  	[hbm4b:s29+s2] =	stream.linear.scatter [tilespmem:s2], [sflag:$0x3], $0x61A8, $0x38;
	[tilespmem:$0xC400] =	vst v63  }
0x106: {  	_ =	swait.ge [sflag:s7], $0x61A8  }
0x107: {  	[sflag:s7] =	ssyncset.done $0x0  }
0x108: {  	[sflag:s7] =	ssyncadd.s32 $0xFFFF9E58  }
0x109: {  	[tilespmem:s4], [sflag:$0x2] =	stream.linear.gather [hbm4b:s30+s2], $0x61A8, $0x38;
	[tilespmem:$0xC400] =	vst v63  }
0x10a: {  	_ =	swait.ge [sflag:s5], $0x61A8  }
0x10b: {  	[sflag:s5] =	ssyncset.done $0x0  }
0x10c: {  	p0 =	sne.s32 s1, $0x1;
	[sflag:s5] =	ssyncadd.s32 $0xFFFF9E58  }
0x10d: {  	[hbm4b:s31+s2] =	stream.linear.scatter [tilespmem:s4], [sflag:$0x4], $0x61A8, $0x38;
	[tilespmem:$0xC400] =	vst v63  }
.Ltmp1:
0x10e: {  	_ =	swait.ge [sflag:s6], $0x61A8;
	(pc) =	sbr.rel @p0 .LBB2_1-.Ltmp1, $4  }
0x10f: {  	[sflag:s6] =	ssyncset.done $0x0  }
0x110: {  	[sflag:s6] =	ssyncadd.s32 $0xFFFF9E58  }
0x111: {  	_ =	swait.ge [sflag:s7], $0x61A8  }
0x112: {  	s1 =	sadd.s32 $0xFFFFFFFF, s1;
	[sflag:s7] =	ssyncset.done $0x0  }
.LBB2_2:
0x113: {  	[sflag:s7] =	ssyncadd.s32 $0xFFFF9E58  }
0x114: {  	_ =	sfence.sel $0x180000  }
0x115: {  	[bflag:$0x0] =	sbarrier.arrive $0xFFFF  }
0x116: {  	_ =	strace $0x90000047  }
0x117: {  	s0 =	stileid.u32;
	[bflag:$0x2] =	sbarrier.arrive $0xFFFF  }
0x118: {  	p0 =	sne.s32 s0, $0x0;
	s0 =	rddreg [dreg:$0x2]  }
0x119: {  	s0 =	sadd.s32 @!p0 $0x100000, s0  }
0x11a: {  	[sflag:s0] =	ssyncadd.tile.s32 @!p0 $0x1;
	_ =	shalt  }
.Lfunc_end2:
_tile_overlayer_lowered:
.L_overlay_start_2:
0x11b: {  	(tag) =	ssettag $0x2  }
0x11c: {  	s0 =	rddreg [dreg:$0x0];
	s2 =	stileid.u32  }
0x11d: {  	s1 =	rddreg [dreg:$0x1];
	p0 =	sne.s32 s2, $0x0  }
0x11e: {  	s3 =	rddreg [dreg:$0x2];
	[bflag:$0x3] =	sbarrier.arrive $0xFFFF;
	s2 =	simm.s32 @!p0 $0x1C05  }
0x11f: {  	[timem:s3], [sflag:s2] =	dma.local @!p0 [hbm:s0], s1  }
0x120: {  	s0 =	simm.s32 @!p0 $0x5  }
0x121: {  	_ =	swait.ge @!p0 [sflag:s0], s1  }
0x122: {  	s1 =	ssub.s32 @!p0 $0x0, s1;
	[sflag:s0] =	ssyncset.done @!p0 $0x0  }
0x123: {  	[sflag:s0] =	ssyncadd.s32 @!p0 s1  }
0x124: {  	[bflag:$0x3] =	sbarrier.arrive $0xFFFF  }
0x125: {  	_ =	shalt  }

// kernel: kernel.9.cloned.1.call-start
scs
__scs_entry_jumppad:
0x0: {  	(pc) =	sbr.rel $0x88, $3  }
0x1: {  	(tag) =	ssettag $0x0;
	lr =	simm.s32 $0x1  }
0x2: {  	[smem:$0x3F9B] =	sst lr;
	_ =	strace $0xD0000000  }
0x3: {  	_ = 	snop  }
0x4: {  	_ = 	snop  }
0x5: {  	_ = 	snop  }
0x6: {  	_ = 	snop  }
0x7: {  	_ = 	snop  }
__scs_overlays_trampoline_lowered:
0x8: {  	[smem:$0x3FAA] =	sst s0  }
0x9: {  	[smem:$0x3FAB] =	sst s1  }
0xa: {  	[smem:$0x3FAC] =	sst s2  }
0xb: {  	[smem:$0x3FAD] =	sst s3  }
0xc: {  	[smem:$0x3FAE] =	sst s4  }
0xd: {  	[smem:$0x3FAF] =	sst s5  }
0xe: {  	[smem:$0x3FB0] =	sst s6  }
0xf: {  	[smem:$0x3FB1] =	sst s7  }
0x10: {  	[smem:$0x3FB2] =	sst s8  }
0x11: {  	[smem:$0x3FB3] =	sst s9;
	s0 =	simm.s32 @!p0 $0x0  }
0x12: {  	s1 =	sld [smem:$0x3F99];
	s0 =	simm.s32 @p0 $0x1  }
0x13: {  	[smem:$0x3FB4] =	sst s0;
	s0 =	simm.s32 @!p1 $0x0  }
0x14: {  	s2 =	sld [smem:$0x3F98];
	s0 =	simm.s32 @p1 $0x1  }
0x15: {  	[smem:$0x3FB5] =	sst s0;
	s0 =	simm.s32 @!p2 $0x0  }
0x16: {  	s3 =	sld [smem:$0x3FDB];
	s0 =	simm.s32 @p2 $0x1  }
0x17: {  	s4 =	simm.s32 $0x1BF5;
	[smem:$0x3FB7] =	sst s0  }
0x18: {  	s0 =	sld [smem:$0x3F9A];
	_ =	swait.ge [sflag:s4], $0x0  }
0x19: {  	s7 =	sld [smem:$0x3F9B]  }
0x1a: {  	s8 =	sadd.s32 $0xFFFFE003, lr  }
0x1b: {  	s9 =	sadd.s32 $0xFFFFFEF7, lr;
	s5 =	simm.s32 $0xFFFFFFFF;
	p2 =	slt.u32 s8, $0xFFFFF086  }
0x1c: {  	p1 =	slt.u32 s9, $0xF7A;
	s5 =	simm.s32 @!p2 $0x0  }
0x1d: {  	s5 =	simm.s32 @p1 $0x1;
	p0 =	seq.s32 s7, s2  }
0x1e: {  	s7 =	smul.u32 @!p0 $0xF7A, s2;
	p2 =	seq.s32 @!p0 s5, $0x0  }
0x1f: {  	s9 =	smul.u32 $0xF7A, s1;
	s8 =	simm.s32 @!p0 $0x1BF5;
	p2 =	por !p2, p0  }
0x20: {  	[sflag:s8] =	ssyncset.s32 @!p0 $0xFFFFF086;
	s6 =	sadd.s32 @!p0 s3, s7;
	s7 =	simm.s32 @!p0 $0x108  }
0x21: {  	s3 =	sadd.s32 s3, s9;
	s6 =	sadd.s32 @!p0 $0x88, s6;
	s7 =	simm.s32 @p2 $0x1082  }
0x22: {  	[simem:s7], [sflag:s8] =	dma.local @!p0 [hbm:s6], $0xF7A  }
0x23: {  	s9 =	sor.u32 $0xD0000000, s2;
	s6 =	simm.s32 $0x108;
	_ =	swait.ge @!p0 [sflag:s8], $0x0  }
0x24: {  	s3 =	sadd.s32 $0x88, s3;
	s6 =	simm.s32 @!p1 $0x1082;
	[sflag:s4] =	ssyncset.s32 $0xFFFFF086  }
0x25: {  	[simem:s6], [sflag:s4] =	dma.local [hbm:s3], $0xF7A  }
0x26: {  	[smem:$0x3F9B] =	sst s1;
	(tag) =	ssettag s2;
	_ =	strace s9  }
0x27: {  	s1 =	sld [smem:$0x3FAB]  }
0x28: {  	s2 =	sld [smem:$0x3FAC]  }
0x29: {  	s4 =	sld [smem:$0x3FAE]  }
0x2a: {  	p0 =	seq.s32 s5, $0x0;
	s5 =	sld [smem:$0x3FAF]  }
0x2b: {  	s6 =	sld [smem:$0x3FB0]  }
0x2c: {  	s7 =	sld [smem:$0x3FB1]  }
0x2d: {  	s3 =	simm.s32 $0x108;
	s8 =	sld [smem:$0x3FB2]  }
0x2e: {  	s3 =	simm.s32 @!p0 $0x1082;
	s9 =	sld [smem:$0x3FB3]  }
0x2f: {  	lr =	sadd.s32 s0, s3;
	s0 =	sld [smem:$0x3FAA]  }
0x30: {  	s3 =	sld [smem:$0x3FAD]  }
0x31: {  	[smem:$0x3FB6] =	sst s10  }
0x32: {  	s10 =	sld [smem:$0x3FB4];
	_ =	sdelay $0x3  }
0x33: {  	p0 =	seq.s32 s10, $0x1;
	s10 =	sld [smem:$0x3FB6];
	_ =	sdelay $0x3  }
0x34: {  	[smem:$0x3FB6] =	sst s10  }
0x35: {  	s10 =	sld [smem:$0x3FB5];
	_ =	sdelay $0x3  }
0x36: {  	p1 =	seq.s32 s10, $0x1;
	s10 =	sld [smem:$0x3FB6];
	_ =	sdelay $0x3  }
0x37: {  	[smem:$0x3FB6] =	sst s10  }
0x38: {  	s10 =	sld [smem:$0x3FB7]  }
0x39: {  	_ = 	snop;
	(pc) =	sbr.ind lr, $3  }
0x3a: {  	_ = 	snop  }
0x3b: {  	_ = 	snop  }
0x3c: {  	p2 =	seq.s32 s10, $0x1;
	s10 =	sld [smem:$0x3FB6]  }
0x3d: {  	_ =	shalt  }
0x3e: {  	_ =	shalt  }
0x3f: {  	_ =	shalt  }
0x40: {  	_ =	shalt  }
0x41: {  	_ =	shalt  }
0x42: {  	_ =	shalt  }
0x43: {  	_ =	shalt  }
0x44: {  	_ =	shalt  }
0x45: {  	_ =	shalt  }
0x46: {  	_ =	shalt  }
0x47: {  	_ =	shalt  }
0x48: {  	_ =	shalt  }
0x49: {  	_ =	shalt  }
0x4a: {  	_ =	shalt  }
0x4b: {  	_ =	shalt  }
0x4c: {  	_ =	shalt  }
0x4d: {  	_ =	shalt  }
0x4e: {  	_ =	shalt  }
0x4f: {  	_ =	shalt  }
0x50: {  	_ =	shalt  }
0x51: {  	_ =	shalt  }
0x52: {  	_ =	shalt  }
0x53: {  	_ =	shalt  }
0x54: {  	_ =	shalt  }
0x55: {  	_ =	shalt  }
0x56: {  	_ =	shalt  }
0x57: {  	_ =	shalt  }
0x58: {  	_ =	shalt  }
0x59: {  	_ =	shalt  }
0x5a: {  	_ =	shalt  }
0x5b: {  	_ =	shalt  }
0x5c: {  	_ =	shalt  }
0x5d: {  	_ =	shalt  }
0x5e: {  	_ =	shalt  }
0x5f: {  	_ =	shalt  }
0x60: {  	_ =	shalt  }
0x61: {  	_ =	shalt  }
0x62: {  	_ =	shalt  }
0x63: {  	_ =	shalt  }
0x64: {  	_ =	shalt  }
0x65: {  	_ =	shalt  }
0x66: {  	_ =	shalt  }
0x67: {  	_ =	shalt  }
0x68: {  	_ =	shalt  }
0x69: {  	_ =	shalt  }
0x6a: {  	_ =	shalt  }
0x6b: {  	_ =	shalt  }
0x6c: {  	_ =	shalt  }
0x6d: {  	_ =	shalt  }
0x6e: {  	_ =	shalt  }
0x6f: {  	_ =	shalt  }
0x70: {  	_ =	shalt  }
0x71: {  	_ =	shalt  }
0x72: {  	_ =	shalt  }
0x73: {  	_ =	shalt  }
0x74: {  	_ =	shalt  }
0x75: {  	_ =	shalt  }
0x76: {  	_ =	shalt  }
0x77: {  	_ =	shalt  }
0x78: {  	_ =	shalt  }
0x79: {  	_ =	shalt  }
0x7a: {  	_ =	shalt  }
0x7b: {  	_ =	shalt  }
0x7c: {  	_ =	shalt  }
0x7d: {  	_ =	shalt  }
0x7e: {  	_ =	shalt  }
0x7f: {  	_ =	shalt  }
0x80: {  	_ =	shalt  }
0x81: {  	_ =	shalt  }
0x82: {  	_ =	shalt  }
0x83: {  	_ =	shalt  }
0x84: {  	_ =	shalt  }
0x85: {  	_ =	shalt  }
0x86: {  	_ =	shalt  }
0x87: {  	_ =	shalt  }
.Lfunc_end0:
.L_simem_size_0:
called_computation.1_lowered:
.L_overlay_start_0:
0x88: {  	s2 =	sld [smem:$0x3FD9]  }
0x89: {  	s3 =	sld [smem:$0x3FFE];
	_ =	sdelay $0x1  }
0x8a: {  	s1 =	srdreg.scid  }
0x8b: {  	s0 =	sand.u32 $0x1, s1  }
0x8c: {  	s14 =	sshll.u32 s0, $0xA;
	s2 =	sadd.s32 s3, s2  }
0x8d: {  	s2 =	sadd.s32 s2, s14  }
0x8e: {  	[smem:$0x3FC2] =	sst s2  }
0x8f: {  	_ = 	snop  }
0x90: {  	s2 =	sld [smem:$0x3FD0];
	_ =	sdelay $0x2  }
0x91: {  	s4 =	simm.s32 $0xA;
	s5 =	simm.s32 $0x10;
	s15 =	sld [smem:$0x3FC7]  }
0x92: {  	[smem:s5], [sflag:s4] =	dma.local [hbm:s2], $0x1  }
0x93: {  	_ =	swait.eq [sflag:s4], $0x1  }
0x94: {  	[sflag:s4] =	ssyncset.done $0x0  }
0x95: {  	s16 =	sld [smem:$0x10];
	[sflag:s4] =	ssyncadd.s32 $0xFFFFFFFF  }
0x96: {  	s17 =	sld [smem:$0x11];
	(tm) =	ssettm $0x1  }
0x97: {  	s18 =	sld [smem:$0x3FFB];
	_ =	sdelay $0x3  }
0x98: {  	_ =	strace s18  }
0x99: {  	s5 =	sld [smem:$0x3FFC];
	_ =	sdelay $0x3  }
0x9a: {  	_ =	strace s5  }
0x9b: {  	s5 =	sld [smem:$0x3FFD];
	_ =	sdelay $0x3  }
0x9c: {  	_ =	strace s5  }
0x9d: {  	_ =	strace $0x8FFFFFFF  }
0x9e: {  	s19 =	sld [smem:$0x3FDB];
	_ =	sdelay $0x1  }
0x9f: {  	s6 =	simm.s32 $_scs_section_size  }
0xa0: {  	s7 =	simm.s32 $_size__tile_overlayer_lowered;
	s8 =	simm.s32 $_tile_overlayer_lowered  }
0xa1: {  	s22 =	simm.s32 $0x1BFF;
	s21 =	sshll.u32 s8, $0x1;
	s5 =	sadd.s32 s6, s19  }
0xa2: {  	s9 =	simm.s32 $0x0;
	s20 =	sshll.u32 s7, $0x1;
	s7 =	sadd.s32 s21, s5  }
0xa3: {  	[timem:s9], [sflag:s22] =	dma.local [hbm:s7], s20  }
0xa4: {  	_ =	swait.ge [sflag:s22], s20  }
0xa5: {  	s6 =	ssub.s32 $0x0, s20;
	[sflag:s22] =	ssyncset.done $0x0  }
0xa6: {  	[sflag:s22] =	ssyncadd.s32 s6;
	_ =	sdelay $0x1  }
0xa7: {  	s23 =	simm.s32 $0x1B8B  }
0xa8: {  	_ =	swait.ge [sflag:s23], $0x1  }
0xa9: {  	[sflag:s23] =	ssyncset.done $0x0  }
0xaa: {  	s25 =	simm.s32 $0x1B8E;
	s24 =	sld [smem:$0x3FFE];
	[sflag:s23] =	ssyncadd.s32 $0xFFFFFFFF  }
0xab: {  	s26 =	simm.s32 $execute0_lowered;
	[smem:$0x3FD2] =	sst s25  }
0xac: {  	s7 =	sshll.u32 s26, $0x1;
	_ =	strace $0x80000049;
	[dreg:$0x1] =	wrdreg $0xFFFFFFFF  }
0xad: {  	s28 =	simm.s32 $_size_execute0_lowered;
	s5 =	sadd.s32 s5, s7;
	[dreg:$0x0] =	wrdreg $0x0  }
0xae: {  	s7 =	sshll.u32 s28, $0x1;
	[dreg:$0x2] =	wrdreg s5  }
0xaf: {  	[dreg:$0x3] =	wrdreg s7  }
0xb0: {  	[dreg:$0x4] =	wrdreg $0xC0  }
0xb1: {  	_ =	task [dreg:s9], $0x5FFFF  }
0xb2: {  	[dreg:$0x1] =	wrdreg $0xFFFFFFFF  }
0xb3: {  	[dreg:$0x0] =	wrdreg $0x60  }
0xb4: {  	[dreg:$0x2] =	wrdreg s15  }
0xb5: {  	[dreg:$0x3] =	wrdreg s24  }
0xb6: {  	[dreg:$0x4] =	wrdreg s16  }
0xb7: {  	[dreg:$0x5] =	wrdreg s17  }
0xb8: {  	[dreg:$0x6] =	wrdreg $0x9  }
0xb9: {  	_ =	task.clear_ibuf [dreg:s9], $0x7FFFF;
	_ =	strace $0x90000049  }
0xba: {  	s29 =	simm.s32 $0x9;
	_ =	strace $0x8000004B  }
0xbb: {  	_ =	swait.ge [sflag:s29], $0x1  }
0xbc: {  	[sflag:s29] =	ssyncadd.s32 $0xFFFFFFFF  }
0xbd: {  	_ =	strace $0x9000004B  }
0xbe: {  	_ =	sfence  }
0xbf: {  	s30 =	sld [smem:$0x0];
	_ =	sdelay $0x2  }
0xc0: {  	s31 =	sshll.u32 s1, $0xD;
	s1 =	sshrl.u32 s1, $0x2  }
0xc1: {  	s3 =	sand.u32 $0x4000, s31;
	s1 =	sadd.s32 s1, s30  }
0xc2: {  	s0 =	sor.u32 s3, s0;
	s1 =	sshll.u32 s1, $0x11  }
0xc3: {  	s0 =	sor.u32 s1, s0  }
0xc4: {  	s0 =	sadd.s32 $0x8F2B, s0  }
0xc5: {  	[sflag:s0] =	ssyncadd.remote.s32 $0x1  }
0xc6: {  	_ =	sfence.sel $0xFFFF  }
0xc7: {  	[dreg:$0x0] =	wrdreg $0xFFFFFFFF;
	(pc) =	sbr.abs _section_cstart, $3  }
0xc8: {  	[dreg:$0x1] =	wrdreg $0xFFFFFFFF  }
0xc9: {  	_ =	task.clear_ibuf [dreg:s9], $0x2FFFF;
	_ =	strace $0x9FFFFFFF  }
0xca: {  	(tm) =	ssettm $0x7FFFFFFF  }
0xcb: {  	_ =	shalt  }
tec
execute0_lowered:
.L_overlay_start_1:
0x0: {  	(tag) =	ssettag $0x1  }
0x1: {  	s5 =	rddreg [dreg:$0x0]  }
0x2: {  	s7 =	rddreg [dreg:$0x1];
	s1 =	srdreg.scid  }
0x3: {  	s2 =	rddreg [dreg:$0x2];
	s0 =	stileid.u32;
	s12 =	sand.u32 $0x1, s1  }
0x4: {  	s3 =	rddreg [dreg:$0x3];
	s6 =	sshll.u32 s0, $0x6;
	s8 =	sshll.u32 s12, $0x5  }
0x5: {  	s4 =	simm.s32 $0x0;
	s1 =	rddreg [dreg:$0x4];
	s8 =	sor.u32 s8, s6  }
0x6: {  	[smem:$0x7FF] =	sst s4;
	s6 =	sshrl.u32 s8, $0x3  }
0x7: {  	_ =	strace $0x8000004A;
	s5 =	sadd.s32 s5, s6;
	s6 =	simm.s32 $0x2  }
0x8: {  	[tilespmem:s4], [sflag:$0x2] =	stream.linear.gather [hbm4b:s5+s4], $0x20, $0x38;
	[tilespmem:$0x2080] =	vst v63  }
0x9: {  	s8 =	sshll.u32 s8, $0x4;
	_ =	swait.ge [sflag:s6], $0x20  }
0xa: {  	s9 =	sadd.s32 s8, s7;
	[sflag:s6] =	ssyncset.done $0x0  }
0xb: {  	s8 =	simm.s32 $0x80;
	s7 =	sadd.s32 $0x1800, s9;
	[sflag:s6] =	ssyncadd.s32 $0xFFFFFFE0  }
0xc: {  	[tilespmem:s8], [sflag:$0x2] =	stream.linear.gather [hbm4b:s7+s4], $0x1000, $0x38;
	[tilespmem:$0x2080] =	vst v63  }
0xd: {  	_ =	swait.ge [sflag:s6], $0x1000  }
0xe: {  	s10 =	simm.s32 $0x1080;
	[sflag:s6] =	ssyncset.done $0x0  }
0xf: {  	s13 =	ssub.s32 $0x2, s12;
	s9 =	sadd.s32 $0x5800, s9;
	[sflag:s6] =	ssyncadd.s32 $0xFFFFF000  }
0x10: {  	[tilespmem:s10], [sflag:$0x2] =	stream.linear.gather [hbm4b:s9+s4], $0x1000, $0x38;
	[tilespmem:$0x2080] =	vst v63  }
0x11: {  	s14 =	sshrl.u32 s13, $0x1;
	_ =	swait.ge [sflag:s6], $0x1000  }
0x12: {  	s13 =	ssub.s32 s13, s14;
	[sflag:s6] =	ssyncset.done $0x0  }
0x13: {  	s11 =	simm.s32 $0x20;
	s13 =	smax.u32 s13, $0x1;
	[sflag:s6] =	ssyncadd.s32 $0xFFFFF000  }
0x14: {  	[hbm4b:s2+s11] =	stream.indirect.scatter [tilespmem:s8], [sflag:$0x1], $0x80, s4, s11, $0xb8;
	[tilespmem:$0x2080] =	vst v63  }
0x15: {  	s12 =	simm.s32 $0x1;
	p0 =	sne.s32 s13, $0x1  }
0x16: {  	[hbm4b:s3+s11] =	stream.indirect.scatter [tilespmem:s10], [sflag:$0x1], $0x80, s4, s11, $0xb8;
	[tilespmem:$0x2080] =	vst v63  }
.Ltmp0:
0x17: {  	_ =	swait.ge [sflag:s12], $0x1000;
	(pc) =	sbr.rel @!p0 .LBB2_2-.Ltmp0, $4  }
0x18: {  	[sflag:s12] =	ssyncset.done $0x0  }
0x19: {  	[sflag:s12] =	ssyncadd.s32 $0xFFFFF000  }
0x1a: {  	_ =	swait.ge [sflag:s12], $0x1000  }
0x1b: {  	s13 =	sadd.s32 $0xFFFFFFFF, s13;
	[sflag:s12] =	ssyncset.done $0x0  }
.LBB2_1:
0x1c: {  	p0 =	sne.s32 s13, $0x1;
	s13 =	sadd.s32 $0xFFFFFFFF, s13;
	[sflag:s12] =	ssyncadd.s32 $0xFFFFF000  }
0x1d: {  	[tilespmem:s4], [sflag:$0x2] =	stream.linear.gather [hbm4b:s5+s4], $0x20, $0x38;
	[tilespmem:$0x2080] =	vst v63  }
0x1e: {  	_ =	swait.ge [sflag:s6], $0x20  }
0x1f: {  	[sflag:s6] =	ssyncset.done $0x0  }
0x20: {  	[sflag:s6] =	ssyncadd.s32 $0xFFFFFFE0  }
0x21: {  	[tilespmem:s8], [sflag:$0x2] =	stream.linear.gather [hbm4b:s7+s4], $0x1000, $0x38;
	[tilespmem:$0x2080] =	vst v63  }
0x22: {  	_ =	swait.ge [sflag:s6], $0x1000  }
0x23: {  	[sflag:s6] =	ssyncset.done $0x0  }
0x24: {  	[sflag:s6] =	ssyncadd.s32 $0xFFFFF000  }
0x25: {  	[tilespmem:s10], [sflag:$0x2] =	stream.linear.gather [hbm4b:s9+s4], $0x1000, $0x38;
	[tilespmem:$0x2080] =	vst v63  }
0x26: {  	_ =	swait.ge [sflag:s6], $0x1000  }
0x27: {  	[sflag:s6] =	ssyncset.done $0x0  }
0x28: {  	[sflag:s6] =	ssyncadd.s32 $0xFFFFF000  }
0x29: {  	[hbm4b:s2+s11] =	stream.indirect.scatter [tilespmem:s8], [sflag:$0x1], $0x80, s4, s11, $0xb8;
	[tilespmem:$0x2080] =	vst v63  }
0x2a: {  	_ = 	snop  }
0x2b: {  	[hbm4b:s3+s11] =	stream.indirect.scatter [tilespmem:s10], [sflag:$0x1], $0x80, s4, s11, $0xb8;
	[tilespmem:$0x2080] =	vst v63  }
.Ltmp1:
0x2c: {  	_ =	swait.ge [sflag:s12], $0x1000;
	(pc) =	sbr.rel @p0 .LBB2_1-.Ltmp1, $4  }
0x2d: {  	[sflag:s12] =	ssyncset.done $0x0  }
0x2e: {  	[sflag:s12] =	ssyncadd.s32 $0xFFFFF000  }
0x2f: {  	_ =	swait.ge [sflag:s12], $0x1000  }
0x30: {  	[sflag:s12] =	ssyncset.done $0x0  }
.LBB2_2:
0x31: {  	[sflag:s12] =	ssyncadd.s32 $0xFFFFF000  }
0x32: {  	_ =	sfence.sel $0x180000  }
0x33: {  	[bflag:$0x0] =	sbarrier.arrive $0xFFFF  }
0x34: {  	p0 =	sne.s32 s0, $0x0;
	_ =	strace $0x9000004A  }
0x35: {  	s0 =	sadd.s32 @!p0 $0x100000, s1;
	[bflag:$0x2] =	sbarrier.arrive $0xFFFF  }
0x36: {  	[sflag:s0] =	ssyncadd.tile.s32 @!p0 $0x1;
	_ =	shalt  }
.Lfunc_end2:
_tile_overlayer_lowered:
.L_overlay_start_2:
0x37: {  	(tag) =	ssettag $0x2  }
0x38: {  	s0 =	rddreg [dreg:$0x0];
	s2 =	stileid.u32  }
0x39: {  	s1 =	rddreg [dreg:$0x1];
	p0 =	sne.s32 s2, $0x0  }
0x3a: {  	s3 =	rddreg [dreg:$0x2];
	[bflag:$0x3] =	sbarrier.arrive $0xFFFF;
	s2 =	simm.s32 @!p0 $0x1C02  }
0x3b: {  	[timem:s3], [sflag:s2] =	dma.local @!p0 [hbm:s0], s1  }
0x3c: {  	s0 =	simm.s32 @!p0 $0x2  }
0x3d: {  	_ =	swait.ge @!p0 [sflag:s0], s1  }
0x3e: {  	s1 =	ssub.s32 @!p0 $0x0, s1;
	[sflag:s0] =	ssyncset.done @!p0 $0x0  }
0x3f: {  	[sflag:s0] =	ssyncadd.s32 @!p0 s1  }
0x40: {  	[bflag:$0x3] =	sbarrier.arrive $0xFFFF  }
0x41: {  	_ =	shalt  }

</sc_bundles>
